<compile_context>
chip_gen: v7x
topology: tpu7x:2x2x1
jax: 0.10.2.dev20260603
libtpu: 0.0.44.dev20260713+nightly
codegen_flags: <defaults>
</compile_context>

<pallas_src>
import functools

import jax
import jax.numpy as jnp
from jax import lax
from jax.experimental import pallas as pl
from jax.experimental.pallas import tpu as pltpu
from jax.experimental.pallas import tpu_sc as plsc

_N = 10000
_E = 320000
_DIN = 128
_H = 64
_DOUT = 64
_B = 64
_EPS = 1e-5

_NC = 2
_NS = 16
_NW = _NC * _NS
_EPT = _E // _NW
_K = 80
_CH = _EPT // _K
_NP = 10240
_RPT = _NP // _NS
_W = 128


def _mesh():
    return plsc.VectorSubcoreMesh(core_axis_name="c", subcore_axis_name="s",
                                  num_cores=_NC, num_subcores=_NS)


def _deg_body(dstr_hbm, ones_hbm, zeros_hbm, out_hbm, dst_v, ones_v, acc_sh,
              ssem):
    c = lax.axis_index("c")
    s = lax.axis_index("s")
    wid = c * _NS + s
    pltpu.sync_copy(zeros_hbm, acc_sh.at[pl.ds(s * _RPT, _RPT)])
    pltpu.sync_copy(dstr_hbm.at[wid], dst_v)
    pltpu.sync_copy(ones_hbm, ones_v)
    plsc.subcore_barrier()

    def fire(j, carry):
        pltpu.async_copy(ones_v, acc_sh.at[dst_v.at[j]], ssem, add=True)
        return carry

    lax.fori_loop(0, _CH, fire, 0)

    def drain(j, carry):
        pltpu.make_async_copy(ones_v, acc_sh.at[dst_v.at[j]], ssem).wait()
        return carry

    lax.fori_loop(0, _CH, drain, 0)
    plsc.subcore_barrier()
    pltpu.sync_copy(acc_sh.at[pl.ds(s * _RPT, _RPT)],
                    out_hbm.at[c, pl.ds(s * _RPT, _RPT)])


@functools.cache
def _deg_kernel():
    return pl.kernel(
        _deg_body,
        out_type=jax.ShapeDtypeStruct((_NC, _NP), jnp.float32),
        mesh=_mesh(),
        scratch_types=[
            pltpu.VMEM((_CH, _K), jnp.int32),
            pltpu.VMEM((_K,), jnp.float32),
            pltpu.VMEM_SHARED((_NP,), jnp.float32),
            pltpu.SemaphoreType.DMA,
        ],
    )


def _edge_body(srcf_hbm, dstr_hbm, hs_hbm, zeros_hbm, out_hbm,
               src_v, dst_v, buf0, buf1, acc_sh, sem0, sem1):
    c = lax.axis_index("c")
    s = lax.axis_index("s")
    wid = c * _NS + s
    pltpu.sync_copy(zeros_hbm, acc_sh.at[pl.ds(s * _RPT, _RPT)])
    pltpu.sync_copy(srcf_hbm.at[wid], src_v)
    pltpu.sync_copy(dstr_hbm.at[wid], dst_v)
    plsc.subcore_barrier()

    def g(j, buf, sem):
        pltpu.async_copy(hs_hbm.at[src_v.at[pl.ds(j * _K, _K)]], buf, sem)

    def gw(buf, sem):
        pltpu.make_async_copy(hs_hbm.at[src_v.at[pl.ds(0, _K)]],
                              buf, sem).wait()

    g(0, buf0, sem0)
    g(1, buf1, sem1)

    def chunk(i, carry):
        a = 2 * i
        gw(buf0, sem0)
        pltpu.sync_copy(buf0, acc_sh.at[dst_v.at[a]], add=True)
        g(a + 2, buf0, sem0)
        gw(buf1, sem1)
        pltpu.sync_copy(buf1, acc_sh.at[dst_v.at[a + 1]], add=True)
        nxt = jnp.minimum(a + 3, _CH - 1)
        g(nxt, buf1, sem1)
        return carry

    lax.fori_loop(0, (_CH - 1) // 2, chunk, 0)
    gw(buf0, sem0)
    pltpu.sync_copy(buf0, acc_sh.at[dst_v.at[_CH - 1]], add=True)
    gw(buf1, sem1)
    plsc.subcore_barrier()
    pltpu.sync_copy(acc_sh.at[pl.ds(s * _RPT, _RPT)],
                    out_hbm.at[c, pl.ds(s * _RPT, _RPT)])


@functools.cache
def _edge_kernel():
    return pl.kernel(
        _edge_body,
        out_type=jax.ShapeDtypeStruct((_NC, _NP, _W), jnp.float32),
        mesh=_mesh(),
        scratch_types=[
            pltpu.VMEM((_EPT,), jnp.int32),
            pltpu.VMEM((_CH, _K), jnp.int32),
            pltpu.VMEM((_K, _W), jnp.float32),
            pltpu.VMEM((_K, _W), jnp.float32),
            pltpu.VMEM_SHARED((_NP, _W), jnp.float32),
            pltpu.SemaphoreType.DMA,
            pltpu.SemaphoreType.DMA,
        ],
    )


def _prep_body(degp_ref, x_ref, w1_ref, bat_ref, dinv_ref, hs_ref, offs_ref):
    deg = (degp_ref[0, pl.ds(0, _N)]
           + degp_ref[1, pl.ds(0, _N)] + 1.0)
    dinv = lax.rsqrt(deg).reshape(_N, 1)
    dinv_ref[...] = dinv
    hs_ref[...] = jnp.dot(x_ref[...], w1_ref[...],
                          preferred_element_type=jnp.float32) * dinv
    bat = bat_ref[...].reshape(_N, 1)
    iot = lax.broadcasted_iota(jnp.int32, (1, _B), 1)
    lo = jnp.sum((bat < iot).astype(jnp.int32), axis=0, keepdims=True)
    hi = jnp.sum((bat <= iot).astype(jnp.int32), axis=0, keepdims=True)
    offs_ref[...] = jnp.concatenate([lo, hi], axis=0)


def _prep_call(degp, x, W1p, batch):
    return pl.pallas_call(
        _prep_body,
        out_shape=(jax.ShapeDtypeStruct((_N, 1), jnp.float32),
                   jax.ShapeDtypeStruct((_N, _W), jnp.float32),
                   jax.ShapeDtypeStruct((2, _B), jnp.int32)),
    )(degp, x, W1p, batch)


def _norm_block(accp_ref, hs, dinv, b, gnw, gnb, gnms, lnw, lnb):
    accp = (accp_ref[0, pl.ds(0, _N), pl.ds(0, _H)]
            + accp_ref[1, pl.ds(0, _N), pl.ds(0, _H)])
    acc = (accp + hs) * dinv + b
    h = jnp.maximum(acc, 0.0)
    mean = jnp.mean(h, axis=0, keepdims=True)
    o = h - gnms * mean
    var = jnp.mean(o * o, axis=0, keepdims=True)
    o = o * lax.rsqrt(var + _EPS) * gnw + gnb
    mu = jnp.mean(o, axis=1, keepdims=True)
    v = jnp.mean((o - mu) ** 2, axis=1, keepdims=True)
    return (o - mu) * lax.rsqrt(v + _EPS) * lnw + lnb


def _mid_body(accp_ref, hs_ref, dinv_ref, b1_ref, gnw_ref, gnb_ref,
              gnms_ref, lnw_ref, lnb_ref, w2_ref, hs2_ref):
    dinv = dinv_ref[...]
    o = _norm_block(accp_ref, hs_ref[pl.ds(0, _N), pl.ds(0, _H)], dinv,
                    b1_ref[...], gnw_ref[...], gnb_ref[...], gnms_ref[...],
                    lnw_ref[...], lnb_ref[...])
    hs2_ref[...] = jnp.dot(o, w2_ref[...],
                           preferred_element_type=jnp.float32) * dinv


def _mid_call(accp, hs, dinv, b1, gnw, gnb, gnms, lnw, lnb, W2p):
    return pl.pallas_call(
        _mid_body,
        out_shape=jax.ShapeDtypeStruct((_N, _W), jnp.float32),
    )(accp, hs, dinv, b1, gnw, gnb, gnms, lnw, lnb, W2p)


_SW = 256


def _final_body(accp_ref, hs_ref, dinv_ref, b2_ref, gnw_ref, gnb_ref,
                gnms_ref, lnw_ref, lnb_ref, bat_ref, offs_ref, fcw_ref,
                fcb_ref, out_ref, o_scr):
    o = _norm_block(accp_ref, hs_ref[pl.ds(0, _N), pl.ds(0, _H)],
                    dinv_ref[...], b2_ref[...], gnw_ref[...], gnb_ref[...],
                    gnms_ref[...], lnw_ref[...], lnb_ref[...])
    o_scr[pl.ds(0, _N), :] = o
    rows = lax.broadcasted_iota(jnp.int32, (_B, 1), 0)
    neg = jnp.float32(-jnp.inf)

    def seg(b, pooled):
        base = (offs_ref[0, b] // 128) * 128
        nb = offs_ref[1, b] - base

        def cond(carry):
            i, _ = carry
            return i * _SW < nb

        def wbody(carry):
            i, acc = carry
            start = jnp.minimum(base + i * _SW, _NP - _SW)
            start = pl.multiple_of(start, 128)
            w = o_scr[pl.ds(start, _SW), :]
            m = bat_ref[pl.ds(start, _SW)].reshape(_SW, 1) == b
            mx = jnp.max(jnp.where(m, w, neg), axis=0, keepdims=True)
            return i + 1, jnp.maximum(acc, mx)

        _, mx = lax.while_loop(cond, wbody,
                               (0, jnp.full((1, _H), neg, jnp.float32)))
        return jnp.where(rows == b, mx, pooled)

    pooled = lax.fori_loop(0, _B, seg,
                           jnp.full((_B, _H), neg, jnp.float32))
    out_ref[...] = jnp.dot(pooled, fcw_ref[...],
                           preferred_element_type=jnp.float32) + fcb_ref[...]


def _final_call(accp, hs, dinv, b2, gnw, gnb, gnms, lnw, lnb, bat, offs,
                fcW, fcb):
    specs = [pl.BlockSpec()] * 13
    specs[10] = pl.BlockSpec(memory_space=pltpu.SMEM)
    return pl.pallas_call(
        _final_body,
        out_shape=jax.ShapeDtypeStruct((_B, _DOUT), jnp.float32),
        in_specs=specs,
        scratch_shapes=[pltpu.VMEM((_NP, _H), jnp.float32)],
    )(accp, hs, dinv, b2, gnw, gnb, gnms, lnw, lnb, bat, offs, fcW, fcb)


def kernel(x, edge_index, batch, W1, b1, W2, b2, gn_w, gn_b, gn_ms,
           ln_w, ln_b, fcW, fcb):
    src_f = edge_index[0].reshape(_NW, _EPT)
    dst_r = edge_index[1].reshape(_NW, _CH, _K)
    ones_d = jnp.ones((_K,), jnp.float32)
    z_d = jnp.zeros((_RPT,), jnp.float32)
    z_h = jnp.zeros((_RPT, _W), jnp.float32)
    W1p = jnp.pad(W1, ((0, 0), (0, _W - _H)))
    W2p = jnp.pad(W2, ((0, 0), (0, _W - _H)))

    degp = _deg_kernel()(dst_r, ones_d, z_d)
    dinv, hs1, offs = _prep_call(degp, x, W1p, batch)
    acc1 = _edge_kernel()(src_f, dst_r, hs1, z_h)
    hs2 = _mid_call(acc1, hs1, dinv, b1.reshape(1, _H),
                    gn_w.reshape(1, _H), gn_b.reshape(1, _H),
                    gn_ms.reshape(1, _H), ln_w.reshape(1, _H),
                    ln_b.reshape(1, _H), W2p)
    acc2 = _edge_kernel()(src_f, dst_r, hs2, z_h)
    out = _final_call(acc2, hs2, dinv, b2.reshape(1, _H),
                      gn_w.reshape(1, _H), gn_b.reshape(1, _H),
                      gn_ms.reshape(1, _H), ln_w.reshape(1, _H),
                      ln_b.reshape(1, _H),
                      jnp.pad(batch, (0, _NP - _N), constant_values=_B),
                      offs, fcW, fcb.reshape(1, _DOUT))
    return out

# --- scband reference (transcript-rebuilt; emitter-appended) ---
"""Pipeline reference for scband-simple-gcn-31035433681285 (READ-ONLY COPY).

The authoritative reference and input builder live on the scoring server;
editing this copy changes nothing except your own understanding.
"""

import jax, jax.numpy as jnp
import numpy as np

N = 10000
E = 320000
DIN = 128
H = 64
DOUT = 64
B = 64
EPS = 1e-5


def setup_inputs(seed: int = 0) -> dict:
    key = jax.random.key(seed)
    ks = jax.random.split(key, 16)
    x = jax.random.normal(ks[0], (N, DIN), dtype=jnp.float32)
    edge_index = jax.random.randint(ks[1], (2, E), 0, N, dtype=jnp.int32)
    batch = jnp.sort(jax.random.randint(ks[2], (N,), 0, B, dtype=jnp.int32))
    W1 = jax.random.normal(ks[3], (DIN, H), dtype=jnp.float32) * (1.0 / np.sqrt(DIN))
    b1 = jnp.zeros((H,), dtype=jnp.float32)
    W2 = jax.random.normal(ks[4], (H, H), dtype=jnp.float32) * (1.0 / np.sqrt(H))
    b2 = jnp.zeros((H,), dtype=jnp.float32)
    gn_w = jnp.ones((H,), dtype=jnp.float32)
    gn_b = jnp.zeros((H,), dtype=jnp.float32)
    gn_ms = jnp.ones((H,), dtype=jnp.float32)
    ln_w = jnp.ones((H,), dtype=jnp.float32)
    ln_b = jnp.zeros((H,), dtype=jnp.float32)
    fcW = jax.random.normal(ks[5], (H, DOUT), dtype=jnp.float32) * (1.0 / np.sqrt(H))
    fcb = jnp.zeros((DOUT,), dtype=jnp.float32)
    return {"x": x, "edge_index": edge_index, "batch": batch, "W1": W1, "b1": b1,
            "W2": W2, "b2": b2, "gn_w": gn_w, "gn_b": gn_b, "gn_ms": gn_ms,
            "ln_w": ln_w, "ln_b": ln_b, "fcW": fcW, "fcb": fcb}


def _gcn_conv(x, edge_index, W, b):
    # GCNConv: symmetric normalization with added self-loops, then linear.
    src = edge_index[0]
    dst = edge_index[1]
    loop = jnp.arange(N, dtype=edge_index.dtype)
    src2 = jnp.concatenate([src, loop])
    dst2 = jnp.concatenate([dst, loop])
    deg = jnp.zeros((N,), dtype=x.dtype).at[dst2].add(1.0)
    dinv = jnp.where(deg > 0, jax.lax.rsqrt(deg), 0.0)
    norm = dinv[src2] * dinv[dst2]
    h = x @ W
    msg = h[src2] * norm[:, None]
    out = jnp.zeros((N, W.shape[1]), dtype=x.dtype).at[dst2].add(msg)
    return out + b


def _graph_norm(x, w, b, ms):
    # PyG GraphNorm with batch=None (single graph): per-feature stats over nodes.
    mean = jnp.mean(x, axis=0)
    out = x - ms * mean
    var = jnp.mean(out * out, axis=0)
    out = out / jnp.sqrt(var + EPS)
    return out * w + b


def _layer_norm(x, w, b):
    mu = jnp.mean(x, axis=-1, keepdims=True)
    var = jnp.mean((x - mu) ** 2, axis=-1, keepdims=True)
    return (x - mu) / jnp.sqrt(var + EPS) * w + b


def reference(x, edge_index, batch, W1, b1, W2, b2, gn_w, gn_b, gn_ms, ln_w, ln_b, fcW, fcb):
    h = jax.nn.relu(_gcn_conv(x, edge_index, W1, b1))
    h = _graph_norm(h, gn_w, gn_b, gn_ms)
    h = _layer_norm(h, ln_w, ln_b)
    # dropout is identity in eval mode
    h = jax.nn.relu(_gcn_conv(h, edge_index, W2, b2))
    h = _graph_norm(h, gn_w, gn_b, gn_ms)
    h = _layer_norm(h, ln_w, ln_b)
    pooled = jax.ops.segment_max(h, batch, num_segments=B)
    out = pooled @ fcW + fcb
    return out

if __name__ == "__main__":
    import jax
    _d = setup_inputs()
    print(jax.jit(kernel)(*tuple(_d.values())))

</pallas_src>

<mosaic_0001>
#map = affine_map<(d0, d1) -> (0, 0, 0)>
#map1 = affine_map<(d0, d1) -> (0)>
#map2 = affine_map<(d0, d1) -> (0, 0)>
module attributes {stable_mosaic.version = 14 : i64} {
  func.func @_deg_body(%arg0: i32, %arg1: i32, %arg2: memref<32x125x80xi32, #tpu.memory_space<hbm>>, %arg3: memref<80xf32, #tpu.memory_space<hbm>>, %arg4: memref<640xf32, #tpu.memory_space<hbm>>, %arg5: memref<2x10240xf32, #tpu.memory_space<hbm>>, %arg6: memref<125x80xi32, #tpu.memory_space<vmem>>, %arg7: memref<80xf32, #tpu.memory_space<vmem>>, %arg8: memref<10240xf32, #tpu.memory_space<vmem_shared>>, %arg9: memref<!tpu.dma_semaphore, #tpu.memory_space<semaphore_mem>>) attributes {dimension_semantics = [#tpu.dimension_semantics<core_parallel>, #tpu.dimension_semantics<subcore_parallel>], iteration_bounds = array<i64: 2, 16>, scalar_prefetch = 0 : i64, scratch_operands = 4 : i64, tpu.core_type = #tpu.core_type<sc_vector_subcore>, window_params = [{transform_indices = #map}, {transform_indices = #map1}, {transform_indices = #map1}, {transform_indices = #map2}]} {
    %mul3A = arith.constant 16 : i32
    %mul3A_0 = arith.muli %arg0, %mul3A : i32
    %add3A = arith.addi %mul3A_0, %arg1 : i32
    %mul3A_1 = arith.constant 640 : i32
    %mul3A_2 = arith.muli %arg1, %mul3A_1 : i32
    "tpu.region"() ({
      %run_scoped3A = tpu.sem_alloc : memref<!tpu.dma_semaphore, #tpu.memory_space<semaphore_mem>>
      %dma_start3A = tpu.memref_slice %arg8[%mul3A_2] : memref<10240xf32, #tpu.memory_space<vmem_shared>> -> memref<640xf32, #tpu.memory_space<vmem_shared>>
      tpu.enqueue_dma source(%arg4 : memref<640xf32, #tpu.memory_space<hbm>>) target(%dma_start3A : memref<640xf32, #tpu.memory_space<vmem_shared>>) target_semaphore(%run_scoped3A : memref<!tpu.dma_semaphore, #tpu.memory_space<semaphore_mem>>)
      %dma_wait3A = tpu.memref_slice %arg8[%mul3A_2] : memref<10240xf32, #tpu.memory_space<vmem_shared>> -> memref<640xf32, #tpu.memory_space<vmem_shared>>
      tpu.wait_dma2 semaphore(%run_scoped3A : memref<!tpu.dma_semaphore, #tpu.memory_space<semaphore_mem>>) src(%arg4 : memref<640xf32, #tpu.memory_space<hbm>>) dst(%dma_wait3A : memref<640xf32, #tpu.memory_space<vmem_shared>>)
      tpu.yield
    }) : () -> ()
    "tpu.region"() ({
      %run_scoped3A = tpu.sem_alloc : memref<!tpu.dma_semaphore, #tpu.memory_space<semaphore_mem>>
      %dma_start3A = arith.constant 0 : i32
      %dma_start3A_19 = arith.constant 0 : i32
      %dma_start3A_20 = tpu.memref_slice %arg2[%add3A, %dma_start3A, %dma_start3A_19] : memref<32x125x80xi32, #tpu.memory_space<hbm>> -> memref<1x125x80xi32, #tpu.memory_space<hbm>>
      %dma_start3A_21 = tpu.memref_squeeze %dma_start3A_20 : memref<1x125x80xi32, #tpu.memory_space<hbm>> -> memref<125x80xi32, #tpu.memory_space<hbm>>
      %dma_start3A_22 = arith.constant 0 : i32
      %dma_start3A_23 = arith.constant 0 : i32
      %dma_start3A_24 = tpu.memref_slice %arg2[%add3A, %dma_start3A_22, %dma_start3A_23] : memref<32x125x80xi32, #tpu.memory_space<hbm>> -> memref<1x125x80xi32, #tpu.memory_space<hbm>>
      %dma_start3A_25 = tpu.memref_squeeze %dma_start3A_24 : memref<1x125x80xi32, #tpu.memory_space<hbm>> -> memref<125x80xi32, #tpu.memory_space<hbm>>
      tpu.enqueue_dma source(%dma_start3A_25 : memref<125x80xi32, #tpu.memory_space<hbm>>) target(%arg6 : memref<125x80xi32, #tpu.memory_space<vmem>>) target_semaphore(%run_scoped3A : memref<!tpu.dma_semaphore, #tpu.memory_space<semaphore_mem>>)
      %dma_wait3A = arith.constant 0 : i32
      %dma_wait3A_26 = arith.constant 0 : i32
      %dma_wait3A_27 = tpu.memref_slice %arg2[%add3A, %dma_wait3A, %dma_wait3A_26] : memref<32x125x80xi32, #tpu.memory_space<hbm>> -> memref<1x125x80xi32, #tpu.memory_space<hbm>>
      %dma_wait3A_28 = tpu.memref_squeeze %dma_wait3A_27 : memref<1x125x80xi32, #tpu.memory_space<hbm>> -> memref<125x80xi32, #tpu.memory_space<hbm>>
      %dma_wait3A_29 = arith.constant 0 : i32
      %dma_wait3A_30 = arith.constant 0 : i32
      %dma_wait3A_31 = tpu.memref_slice %arg2[%add3A, %dma_wait3A_29, %dma_wait3A_30] : memref<32x125x80xi32, #tpu.memory_space<hbm>> -> memref<1x125x80xi32, #tpu.memory_space<hbm>>
      %dma_wait3A_32 = tpu.memref_squeeze %dma_wait3A_31 : memref<1x125x80xi32, #tpu.memory_space<hbm>> -> memref<125x80xi32, #tpu.memory_space<hbm>>
      tpu.wait_dma2 semaphore(%run_scoped3A : memref<!tpu.dma_semaphore, #tpu.memory_space<semaphore_mem>>) src(%dma_wait3A_32 : memref<125x80xi32, #tpu.memory_space<hbm>>) dst(%arg6 : memref<125x80xi32, #tpu.memory_space<vmem>>)
      tpu.yield
    }) : () -> ()
    "tpu.region"() ({
      %run_scoped3A = tpu.sem_alloc : memref<!tpu.dma_semaphore, #tpu.memory_space<semaphore_mem>>
      tpu.enqueue_dma source(%arg3 : memref<80xf32, #tpu.memory_space<hbm>>) target(%arg7 : memref<80xf32, #tpu.memory_space<vmem>>) target_semaphore(%run_scoped3A : memref<!tpu.dma_semaphore, #tpu.memory_space<semaphore_mem>>)
      tpu.wait_dma2 semaphore(%run_scoped3A : memref<!tpu.dma_semaphore, #tpu.memory_space<semaphore_mem>>) src(%arg3 : memref<80xf32, #tpu.memory_space<hbm>>) dst(%arg7 : memref<80xf32, #tpu.memory_space<vmem>>)
      tpu.yield
    }) : () -> ()
    %barrier3A = arith.constant 0 : index
    tpu.barrier barrier_id(%barrier3A)
    %scan3A = arith.constant 0 : i32
    %scan3A_3 = arith.constant 0 : i32
    %scan3A_4 = arith.constant 125 : i32
    %scan3A_5 = arith.addi %scan3A_3, %scan3A_4 : i32
    %scan3A_6 = arith.constant 1 : i32
    scf.for %scan3A_19 = %scan3A_3 to %scan3A_5 step %scan3A_6  : i32 {
      %dma_start3A = arith.constant 0 : i32
      %dma_start3A_20 = tpu.memref_slice %arg6[%scan3A_19, %dma_start3A] : memref<125x80xi32, #tpu.memory_space<vmem>> -> memref<1x80xi32, #tpu.memory_space<vmem>>
      %dma_start3A_21 = tpu.memref_squeeze %dma_start3A_20 : memref<1x80xi32, #tpu.memory_space<vmem>> -> memref<80xi32, #tpu.memory_space<vmem>>
      %dma_start3A_22 = arith.constant 0 : i32
      %dma_start3A_23 = tpu.memref_slice %arg8[%dma_start3A_22] : memref<10240xf32, #tpu.memory_space<vmem_shared>> -> memref<10240xf32, #tpu.memory_space<vmem_shared>>
      tpu.enqueue_indirect_dma source(%arg7 : memref<80xf32, #tpu.memory_space<vmem>>) target(%dma_start3A_23 : memref<10240xf32, #tpu.memory_space<vmem_shared>>) offsets(%dma_start3A_21 : memref<80xi32, #tpu.memory_space<vmem>>) semaphore(%arg9 : memref<!tpu.dma_semaphore, #tpu.memory_space<semaphore_mem>>) {add = true}
    }
    %scan3A_7 = arith.constant 125 : i32
    %scan3A_8 = arith.constant 0 : i32
    %scan3A_9 = arith.constant 0 : i32
    %scan3A_10 = arith.constant 125 : i32
    %scan3A_11 = arith.addi %scan3A_9, %scan3A_10 : i32
    %scan3A_12 = arith.constant 1 : i32
    scf.for %scan3A_19 = %scan3A_9 to %scan3A_11 step %scan3A_12  : i32 {
      %dma_wait3A = arith.constant 0 : i32
      %dma_wait3A_20 = tpu.memref_slice %arg6[%scan3A_19, %dma_wait3A] : memref<125x80xi32, #tpu.memory_space<vmem>> -> memref<1x80xi32, #tpu.memory_space<vmem>>
      %dma_wait3A_21 = tpu.memref_squeeze %dma_wait3A_20 : memref<1x80xi32, #tpu.memory_space<vmem>> -> memref<80xi32, #tpu.memory_space<vmem>>
      %dma_wait3A_22 = arith.constant 0 : i32
      %dma_wait3A_23 = tpu.memref_slice %arg8[%dma_wait3A_22] : memref<10240xf32, #tpu.memory_space<vmem_shared>> -> memref<10240xf32, #tpu.memory_space<vmem_shared>>
      tpu.wait_indirect_dma semaphore(%arg9 : memref<!tpu.dma_semaphore, #tpu.memory_space<semaphore_mem>>) src(%arg7 : memref<80xf32, #tpu.memory_space<vmem>>) dst(%dma_wait3A_23 : memref<10240xf32, #tpu.memory_space<vmem_shared>>)
    }
    %scan3A_13 = arith.constant 125 : i32
    %barrier3A_14 = arith.constant 0 : index
    tpu.barrier barrier_id(%barrier3A_14)
    %mul3A_15 = arith.constant 640 : i32
    %mul3A_16 = arith.muli %arg1, %mul3A_15 : i32
    %mul3A_17 = arith.constant 640 : i32
    %mul3A_18 = arith.muli %arg1, %mul3A_17 : i32
    "tpu.region"() ({
      %run_scoped3A = tpu.sem_alloc : memref<!tpu.dma_semaphore, #tpu.memory_space<semaphore_mem>>
      %dma_start3A = tpu.memref_slice %arg5[%arg0, %mul3A_18] : memref<2x10240xf32, #tpu.memory_space<hbm>> -> memref<1x640xf32, #tpu.memory_space<hbm>>
      %dma_start3A_19 = tpu.memref_squeeze %dma_start3A : memref<1x640xf32, #tpu.memory_space<hbm>> -> memref<640xf32, #tpu.memory_space<hbm>>
      %dma_start3A_20 = tpu.memref_slice %arg8[%mul3A_16] : memref<10240xf32, #tpu.memory_space<vmem_shared>> -> memref<640xf32, #tpu.memory_space<vmem_shared>>
      tpu.enqueue_dma source(%dma_start3A_20 : memref<640xf32, #tpu.memory_space<vmem_shared>>) target(%dma_start3A_19 : memref<640xf32, #tpu.memory_space<hbm>>) target_semaphore(%run_scoped3A : memref<!tpu.dma_semaphore, #tpu.memory_space<semaphore_mem>>)
      %dma_wait3A = tpu.memref_slice %arg5[%arg0, %mul3A_18] : memref<2x10240xf32, #tpu.memory_space<hbm>> -> memref<1x640xf32, #tpu.memory_space<hbm>>
      %dma_wait3A_21 = tpu.memref_squeeze %dma_wait3A : memref<1x640xf32, #tpu.memory_space<hbm>> -> memref<640xf32, #tpu.memory_space<hbm>>
      %dma_wait3A_22 = tpu.memref_slice %arg8[%mul3A_16] : memref<10240xf32, #tpu.memory_space<vmem_shared>> -> memref<640xf32, #tpu.memory_space<vmem_shared>>
      tpu.wait_dma2 semaphore(%run_scoped3A : memref<!tpu.dma_semaphore, #tpu.memory_space<semaphore_mem>>) src(%dma_wait3A_22 : memref<640xf32, #tpu.memory_space<vmem_shared>>) dst(%dma_wait3A_21 : memref<640xf32, #tpu.memory_space<hbm>>)
      tpu.yield
    }) : () -> ()
    return
  }
}

#map = affine_map<(d0, d1) -> (0, 0)>
#map1 = affine_map<(d0, d1) -> (0, 0, 0)>
module attributes {stable_mosaic.version = 14 : i64} {
  func.func @_edge_body(%arg0: i32, %arg1: i32, %arg2: memref<32x10000xi32, #tpu.memory_space<hbm>>, %arg3: memref<32x125x80xi32, #tpu.memory_space<hbm>>, %arg4: memref<10000x128xf32, #tpu.memory_space<hbm>>, %arg5: memref<640x128xf32, #tpu.memory_space<hbm>>, %arg6: memref<2x10240x128xf32, #tpu.memory_space<hbm>>, %arg7: memref<10000xi32, #tpu.memory_space<vmem>>, %arg8: memref<125x80xi32, #tpu.memory_space<vmem>>, %arg9: memref<80x128xf32, #tpu.memory_space<vmem>>, %arg10: memref<80x128xf32, #tpu.memory_space<vmem>>, %arg11: memref<10240x128xf32, #tpu.memory_space<vmem_shared>>, %arg12: memref<!tpu.dma_semaphore, #tpu.memory_space<semaphore_mem>>, %arg13: memref<!tpu.dma_semaphore, #tpu.memory_space<semaphore_mem>>) attributes {dimension_semantics = [#tpu.dimension_semantics<core_parallel>, #tpu.dimension_semantics<subcore_parallel>], iteration_bounds = array<i64: 2, 16>, scalar_prefetch = 0 : i64, scratch_operands = 7 : i64, tpu.core_type = #tpu.core_type<sc_vector_subcore>, window_params = [{transform_indices = #map}, {transform_indices = #map1}, {transform_indices = #map}, {transform_indices = #map}, {transform_indices = #map1}]} {
    %mul3A = arith.constant 16 : i32
    %mul3A_0 = arith.muli %arg0, %mul3A : i32
    %add3A = arith.addi %mul3A_0, %arg1 : i32
    %mul3A_1 = arith.constant 640 : i32
    %mul3A_2 = arith.muli %arg1, %mul3A_1 : i32
    "tpu.region"() ({
      %run_scoped3A_31 = tpu.sem_alloc : memref<!tpu.dma_semaphore, #tpu.memory_space<semaphore_mem>>
      %dma_start3A_32 = arith.constant 0 : i32
      %dma_start3A_33 = tpu.memref_slice %arg11[%mul3A_2, %dma_start3A_32] : memref<10240x128xf32, #tpu.memory_space<vmem_shared>> -> memref<640x128xf32, #tpu.memory_space<vmem_shared>>
      tpu.enqueue_dma source(%arg5 : memref<640x128xf32, #tpu.memory_space<hbm>>) target(%dma_start3A_33 : memref<640x128xf32, #tpu.memory_space<vmem_shared>>) target_semaphore(%run_scoped3A_31 : memref<!tpu.dma_semaphore, #tpu.memory_space<semaphore_mem>>)
      %dma_wait3A_34 = arith.constant 0 : i32
      %dma_wait3A_35 = tpu.memref_slice %arg11[%mul3A_2, %dma_wait3A_34] : memref<10240x128xf32, #tpu.memory_space<vmem_shared>> -> memref<640x128xf32, #tpu.memory_space<vmem_shared>>
      tpu.wait_dma2 semaphore(%run_scoped3A_31 : memref<!tpu.dma_semaphore, #tpu.memory_space<semaphore_mem>>) src(%arg5 : memref<640x128xf32, #tpu.memory_space<hbm>>) dst(%dma_wait3A_35 : memref<640x128xf32, #tpu.memory_space<vmem_shared>>)
      tpu.yield
    }) : () -> ()
    "tpu.region"() ({
      %run_scoped3A_31 = tpu.sem_alloc : memref<!tpu.dma_semaphore, #tpu.memory_space<semaphore_mem>>
      %dma_start3A_32 = arith.constant 0 : i32
      %dma_start3A_33 = tpu.memref_slice %arg2[%add3A, %dma_start3A_32] : memref<32x10000xi32, #tpu.memory_space<hbm>> -> memref<1x10000xi32, #tpu.memory_space<hbm>>
      %dma_start3A_34 = tpu.memref_squeeze %dma_start3A_33 : memref<1x10000xi32, #tpu.memory_space<hbm>> -> memref<10000xi32, #tpu.memory_space<hbm>>
      %dma_start3A_35 = arith.constant 0 : i32
      %dma_start3A_36 = tpu.memref_slice %arg2[%add3A, %dma_start3A_35] : memref<32x10000xi32, #tpu.memory_space<hbm>> -> memref<1x10000xi32, #tpu.memory_space<hbm>>
      %dma_start3A_37 = tpu.memref_squeeze %dma_start3A_36 : memref<1x10000xi32, #tpu.memory_space<hbm>> -> memref<10000xi32, #tpu.memory_space<hbm>>
      tpu.enqueue_dma source(%dma_start3A_37 : memref<10000xi32, #tpu.memory_space<hbm>>) target(%arg7 : memref<10000xi32, #tpu.memory_space<vmem>>) target_semaphore(%run_scoped3A_31 : memref<!tpu.dma_semaphore, #tpu.memory_space<semaphore_mem>>)
      %dma_wait3A_38 = arith.constant 0 : i32
      %dma_wait3A_39 = tpu.memref_slice %arg2[%add3A, %dma_wait3A_38] : memref<32x10000xi32, #tpu.memory_space<hbm>> -> memref<1x10000xi32, #tpu.memory_space<hbm>>
      %dma_wait3A_40 = tpu.memref_squeeze %dma_wait3A_39 : memref<1x10000xi32, #tpu.memory_space<hbm>> -> memref<10000xi32, #tpu.memory_space<hbm>>
      %dma_wait3A_41 = arith.constant 0 : i32
      %dma_wait3A_42 = tpu.memref_slice %arg2[%add3A, %dma_wait3A_41] : memref<32x10000xi32, #tpu.memory_space<hbm>> -> memref<1x10000xi32, #tpu.memory_space<hbm>>
      %dma_wait3A_43 = tpu.memref_squeeze %dma_wait3A_42 : memref<1x10000xi32, #tpu.memory_space<hbm>> -> memref<10000xi32, #tpu.memory_space<hbm>>
      tpu.wait_dma2 semaphore(%run_scoped3A_31 : memref<!tpu.dma_semaphore, #tpu.memory_space<semaphore_mem>>) src(%dma_wait3A_43 : memref<10000xi32, #tpu.memory_space<hbm>>) dst(%arg7 : memref<10000xi32, #tpu.memory_space<vmem>>)
      tpu.yield
    }) : () -> ()
    "tpu.region"() ({
      %run_scoped3A_31 = tpu.sem_alloc : memref<!tpu.dma_semaphore, #tpu.memory_space<semaphore_mem>>
      %dma_start3A_32 = arith.constant 0 : i32
      %dma_start3A_33 = arith.constant 0 : i32
      %dma_start3A_34 = tpu.memref_slice %arg3[%add3A, %dma_start3A_32, %dma_start3A_33] : memref<32x125x80xi32, #tpu.memory_space<hbm>> -> memref<1x125x80xi32, #tpu.memory_space<hbm>>
      %dma_start3A_35 = tpu.memref_squeeze %dma_start3A_34 : memref<1x125x80xi32, #tpu.memory_space<hbm>> -> memref<125x80xi32, #tpu.memory_space<hbm>>
      %dma_start3A_36 = arith.constant 0 : i32
      %dma_start3A_37 = arith.constant 0 : i32
      %dma_start3A_38 = tpu.memref_slice %arg3[%add3A, %dma_start3A_36, %dma_start3A_37] : memref<32x125x80xi32, #tpu.memory_space<hbm>> -> memref<1x125x80xi32, #tpu.memory_space<hbm>>
      %dma_start3A_39 = tpu.memref_squeeze %dma_start3A_38 : memref<1x125x80xi32, #tpu.memory_space<hbm>> -> memref<125x80xi32, #tpu.memory_space<hbm>>
      tpu.enqueue_dma source(%dma_start3A_39 : memref<125x80xi32, #tpu.memory_space<hbm>>) target(%arg8 : memref<125x80xi32, #tpu.memory_space<vmem>>) target_semaphore(%run_scoped3A_31 : memref<!tpu.dma_semaphore, #tpu.memory_space<semaphore_mem>>)
      %dma_wait3A_40 = arith.constant 0 : i32
      %dma_wait3A_41 = arith.constant 0 : i32
      %dma_wait3A_42 = tpu.memref_slice %arg3[%add3A, %dma_wait3A_40, %dma_wait3A_41] : memref<32x125x80xi32, #tpu.memory_space<hbm>> -> memref<1x125x80xi32, #tpu.memory_space<hbm>>
      %dma_wait3A_43 = tpu.memref_squeeze %dma_wait3A_42 : memref<1x125x80xi32, #tpu.memory_space<hbm>> -> memref<125x80xi32, #tpu.memory_space<hbm>>
      %dma_wait3A_44 = arith.constant 0 : i32
      %dma_wait3A_45 = arith.constant 0 : i32
      %dma_wait3A_46 = tpu.memref_slice %arg3[%add3A, %dma_wait3A_44, %dma_wait3A_45] : memref<32x125x80xi32, #tpu.memory_space<hbm>> -> memref<1x125x80xi32, #tpu.memory_space<hbm>>
      %dma_wait3A_47 = tpu.memref_squeeze %dma_wait3A_46 : memref<1x125x80xi32, #tpu.memory_space<hbm>> -> memref<125x80xi32, #tpu.memory_space<hbm>>
      tpu.wait_dma2 semaphore(%run_scoped3A_31 : memref<!tpu.dma_semaphore, #tpu.memory_space<semaphore_mem>>) src(%dma_wait3A_47 : memref<125x80xi32, #tpu.memory_space<hbm>>) dst(%arg8 : memref<125x80xi32, #tpu.memory_space<vmem>>)
      tpu.yield
    }) : () -> ()
    %barrier3A = arith.constant 0 : index
    tpu.barrier barrier_id(%barrier3A)
    %dma_start3A = arith.constant 0 : i32
    %dma_start3A_3 = tpu.memref_slice %arg7[%dma_start3A] : memref<10000xi32, #tpu.memory_space<vmem>> -> memref<80xi32, #tpu.memory_space<vmem>>
    %dma_start3A_4 = arith.constant 0 : i32
    %dma_start3A_5 = arith.constant 0 : i32
    %dma_start3A_6 = tpu.memref_slice %arg4[%dma_start3A_4, %dma_start3A_5] : memref<10000x128xf32, #tpu.memory_space<hbm>> -> memref<10000x128xf32, #tpu.memory_space<hbm>>
    tpu.enqueue_indirect_dma source(%dma_start3A_6 : memref<10000x128xf32, #tpu.memory_space<hbm>>) target(%arg9 : memref<80x128xf32, #tpu.memory_space<vmem>>) offsets(%dma_start3A_3 : memref<80xi32, #tpu.memory_space<vmem>>) semaphore(%arg12 : memref<!tpu.dma_semaphore, #tpu.memory_space<semaphore_mem>>)
    %dma_start3A_7 = arith.constant 80 : i32
    %dma_start3A_8 = tpu.memref_slice %arg7[%dma_start3A_7] : memref<10000xi32, #tpu.memory_space<vmem>> -> memref<80xi32, #tpu.memory_space<vmem>>
    %dma_start3A_9 = arith.constant 0 : i32
    %dma_start3A_10 = arith.constant 0 : i32
    %dma_start3A_11 = tpu.memref_slice %arg4[%dma_start3A_9, %dma_start3A_10] : memref<10000x128xf32, #tpu.memory_space<hbm>> -> memref<10000x128xf32, #tpu.memory_space<hbm>>
    tpu.enqueue_indirect_dma source(%dma_start3A_11 : memref<10000x128xf32, #tpu.memory_space<hbm>>) target(%arg10 : memref<80x128xf32, #tpu.memory_space<vmem>>) offsets(%dma_start3A_8 : memref<80xi32, #tpu.memory_space<vmem>>) semaphore(%arg13 : memref<!tpu.dma_semaphore, #tpu.memory_space<semaphore_mem>>)
    %scan3A = arith.constant 0 : i32
    %scan3A_12 = arith.constant 0 : i32
    %scan3A_13 = arith.constant 62 : i32
    %scan3A_14 = arith.addi %scan3A_12, %scan3A_13 : i32
    %scan3A_15 = arith.constant 1 : i32
    scf.for %scan3A_31 = %scan3A_12 to %scan3A_14 step %scan3A_15  : i32 {
      %mul3A_32 = arith.constant 2 : i32
      %mul3A_33 = arith.muli %mul3A_32, %scan3A_31 : i32
      %dma_wait3A_34 = arith.constant 0 : i32
      %dma_wait3A_35 = tpu.memref_slice %arg7[%dma_wait3A_34] : memref<10000xi32, #tpu.memory_space<vmem>> -> memref<80xi32, #tpu.memory_space<vmem>>
      %dma_wait3A_36 = arith.constant 0 : i32
      %dma_wait3A_37 = arith.constant 0 : i32
      %dma_wait3A_38 = tpu.memref_slice %arg4[%dma_wait3A_36, %dma_wait3A_37] : memref<10000x128xf32, #tpu.memory_space<hbm>> -> memref<10000x128xf32, #tpu.memory_space<hbm>>
      tpu.wait_indirect_dma semaphore(%arg12 : memref<!tpu.dma_semaphore, #tpu.memory_space<semaphore_mem>>) src(%dma_wait3A_38 : memref<10000x128xf32, #tpu.memory_space<hbm>>) dst(%arg9 : memref<80x128xf32, #tpu.memory_space<vmem>>)
      "tpu.region"() ({
        %run_scoped3A_63 = tpu.sem_alloc : memref<!tpu.dma_semaphore, #tpu.memory_space<semaphore_mem>>
        %dma_start3A_64 = arith.constant 0 : i32
        %dma_start3A_65 = tpu.memref_slice %arg8[%mul3A_33, %dma_start3A_64] : memref<125x80xi32, #tpu.memory_space<vmem>> -> memref<1x80xi32, #tpu.memory_space<vmem>>
        %dma_start3A_66 = tpu.memref_squeeze %dma_start3A_65 : memref<1x80xi32, #tpu.memory_space<vmem>> -> memref<80xi32, #tpu.memory_space<vmem>>
        %dma_start3A_67 = arith.constant 0 : i32
        %dma_start3A_68 = arith.constant 0 : i32
        %dma_start3A_69 = tpu.memref_slice %arg11[%dma_start3A_67, %dma_start3A_68] : memref<10240x128xf32, #tpu.memory_space<vmem_shared>> -> memref<10240x128xf32, #tpu.memory_space<vmem_shared>>
        tpu.enqueue_indirect_dma source(%arg9 : memref<80x128xf32, #tpu.memory_space<vmem>>) target(%dma_start3A_69 : memref<10240x128xf32, #tpu.memory_space<vmem_shared>>) offsets(%dma_start3A_66 : memref<80xi32, #tpu.memory_space<vmem>>) semaphore(%run_scoped3A_63 : memref<!tpu.dma_semaphore, #tpu.memory_space<semaphore_mem>>) {add = true}
        %dma_wait3A_70 = arith.constant 0 : i32
        %dma_wait3A_71 = tpu.memref_slice %arg8[%mul3A_33, %dma_wait3A_70] : memref<125x80xi32, #tpu.memory_space<vmem>> -> memref<1x80xi32, #tpu.memory_space<vmem>>
        %dma_wait3A_72 = tpu.memref_squeeze %dma_wait3A_71 : memref<1x80xi32, #tpu.memory_space<vmem>> -> memref<80xi32, #tpu.memory_space<vmem>>
        %dma_wait3A_73 = arith.constant 0 : i32
        %dma_wait3A_74 = arith.constant 0 : i32
        %dma_wait3A_75 = tpu.memref_slice %arg11[%dma_wait3A_73, %dma_wait3A_74] : memref<10240x128xf32, #tpu.memory_space<vmem_shared>> -> memref<10240x128xf32, #tpu.memory_space<vmem_shared>>
        tpu.wait_indirect_dma semaphore(%run_scoped3A_63 : memref<!tpu.dma_semaphore, #tpu.memory_space<semaphore_mem>>) src(%arg9 : memref<80x128xf32, #tpu.memory_space<vmem>>) dst(%dma_wait3A_75 : memref<10240x128xf32, #tpu.memory_space<vmem_shared>>)
        tpu.yield
      }) : () -> ()
      %add3A_39 = arith.constant 2 : i32
      %add3A_40 = arith.addi %mul3A_33, %add3A_39 : i32
      %mul3A_41 = arith.constant 80 : i32
      %mul3A_42 = arith.muli %add3A_40, %mul3A_41 : i32
      %dma_start3A_43 = tpu.memref_slice %arg7[%mul3A_42] : memref<10000xi32, #tpu.memory_space<vmem>> -> memref<80xi32, #tpu.memory_space<vmem>>
      %dma_start3A_44 = arith.constant 0 : i32
      %dma_start3A_45 = arith.constant 0 : i32
      %dma_start3A_46 = tpu.memref_slice %arg4[%dma_start3A_44, %dma_start3A_45] : memref<10000x128xf32, #tpu.memory_space<hbm>> -> memref<10000x128xf32, #tpu.memory_space<hbm>>
      tpu.enqueue_indirect_dma source(%dma_start3A_46 : memref<10000x128xf32, #tpu.memory_space<hbm>>) target(%arg9 : memref<80x128xf32, #tpu.memory_space<vmem>>) offsets(%dma_start3A_43 : memref<80xi32, #tpu.memory_space<vmem>>) semaphore(%arg12 : memref<!tpu.dma_semaphore, #tpu.memory_space<semaphore_mem>>)
      %dma_wait3A_47 = arith.constant 0 : i32
      %dma_wait3A_48 = tpu.memref_slice %arg7[%dma_wait3A_47] : memref<10000xi32, #tpu.memory_space<vmem>> -> memref<80xi32, #tpu.memory_space<vmem>>
      %dma_wait3A_49 = arith.constant 0 : i32
      %dma_wait3A_50 = arith.constant 0 : i32
      %dma_wait3A_51 = tpu.memref_slice %arg4[%dma_wait3A_49, %dma_wait3A_50] : memref<10000x128xf32, #tpu.memory_space<hbm>> -> memref<10000x128xf32, #tpu.memory_space<hbm>>
      tpu.wait_indirect_dma semaphore(%arg13 : memref<!tpu.dma_semaphore, #tpu.memory_space<semaphore_mem>>) src(%dma_wait3A_51 : memref<10000x128xf32, #tpu.memory_space<hbm>>) dst(%arg10 : memref<80x128xf32, #tpu.memory_space<vmem>>)
      %add3A_52 = arith.constant 1 : i32
      %add3A_53 = arith.addi %mul3A_33, %add3A_52 : i32
      "tpu.region"() ({
        %run_scoped3A_63 = tpu.sem_alloc : memref<!tpu.dma_semaphore, #tpu.memory_space<semaphore_mem>>
        %dma_start3A_64 = arith.constant 0 : i32
        %dma_start3A_65 = tpu.memref_slice %arg8[%add3A_53, %dma_start3A_64] : memref<125x80xi32, #tpu.memory_space<vmem>> -> memref<1x80xi32, #tpu.memory_space<vmem>>
        %dma_start3A_66 = tpu.memref_squeeze %dma_start3A_65 : memref<1x80xi32, #tpu.memory_space<vmem>> -> memref<80xi32, #tpu.memory_space<vmem>>
        %dma_start3A_67 = arith.constant 0 : i32
        %dma_start3A_68 = arith.constant 0 : i32
        %dma_start3A_69 = tpu.memref_slice %arg11[%dma_start3A_67, %dma_start3A_68] : memref<10240x128xf32, #tpu.memory_space<vmem_shared>> -> memref<10240x128xf32, #tpu.memory_space<vmem_shared>>
        tpu.enqueue_indirect_dma source(%arg10 : memref<80x128xf32, #tpu.memory_space<vmem>>) target(%dma_start3A_69 : memref<10240x128xf32, #tpu.memory_space<vmem_shared>>) offsets(%dma_start3A_66 : memref<80xi32, #tpu.memory_space<vmem>>) semaphore(%run_scoped3A_63 : memref<!tpu.dma_semaphore, #tpu.memory_space<semaphore_mem>>) {add = true}
        %dma_wait3A_70 = arith.constant 0 : i32
        %dma_wait3A_71 = tpu.memref_slice %arg8[%add3A_53, %dma_wait3A_70] : memref<125x80xi32, #tpu.memory_space<vmem>> -> memref<1x80xi32, #tpu.memory_space<vmem>>
        %dma_wait3A_72 = tpu.memref_squeeze %dma_wait3A_71 : memref<1x80xi32, #tpu.memory_space<vmem>> -> memref<80xi32, #tpu.memory_space<vmem>>
        %dma_wait3A_73 = arith.constant 0 : i32
        %dma_wait3A_74 = arith.constant 0 : i32
        %dma_wait3A_75 = tpu.memref_slice %arg11[%dma_wait3A_73, %dma_wait3A_74] : memref<10240x128xf32, #tpu.memory_space<vmem_shared>> -> memref<10240x128xf32, #tpu.memory_space<vmem_shared>>
        tpu.wait_indirect_dma semaphore(%run_scoped3A_63 : memref<!tpu.dma_semaphore, #tpu.memory_space<semaphore_mem>>) src(%arg10 : memref<80x128xf32, #tpu.memory_space<vmem>>) dst(%dma_wait3A_75 : memref<10240x128xf32, #tpu.memory_space<vmem_shared>>)
        tpu.yield
      }) : () -> ()
      %add3A_54 = arith.constant 3 : i32
      %add3A_55 = arith.addi %mul3A_33, %add3A_54 : i32
      %min3A = arith.constant 124 : i32
      %min3A_56 = arith.minsi %add3A_55, %min3A : i32
      %mul3A_57 = arith.constant 80 : i32
      %mul3A_58 = arith.muli %min3A_56, %mul3A_57 : i32
      %dma_start3A_59 = tpu.memref_slice %arg7[%mul3A_58] : memref<10000xi32, #tpu.memory_space<vmem>> -> memref<80xi32, #tpu.memory_space<vmem>>
      %dma_start3A_60 = arith.constant 0 : i32
      %dma_start3A_61 = arith.constant 0 : i32
      %dma_start3A_62 = tpu.memref_slice %arg4[%dma_start3A_60, %dma_start3A_61] : memref<10000x128xf32, #tpu.memory_space<hbm>> -> memref<10000x128xf32, #tpu.memory_space<hbm>>
      tpu.enqueue_indirect_dma source(%dma_start3A_62 : memref<10000x128xf32, #tpu.memory_space<hbm>>) target(%arg10 : memref<80x128xf32, #tpu.memory_space<vmem>>) offsets(%dma_start3A_59 : memref<80xi32, #tpu.memory_space<vmem>>) semaphore(%arg13 : memref<!tpu.dma_semaphore, #tpu.memory_space<semaphore_mem>>)
    }
    %scan3A_16 = arith.constant 62 : i32
    %dma_wait3A = arith.constant 0 : i32
    %dma_wait3A_17 = tpu.memref_slice %arg7[%dma_wait3A] : memref<10000xi32, #tpu.memory_space<vmem>> -> memref<80xi32, #tpu.memory_space<vmem>>
    %dma_wait3A_18 = arith.constant 0 : i32
    %dma_wait3A_19 = arith.constant 0 : i32
    %dma_wait3A_20 = tpu.memref_slice %arg4[%dma_wait3A_18, %dma_wait3A_19] : memref<10000x128xf32, #tpu.memory_space<hbm>> -> memref<10000x128xf32, #tpu.memory_space<hbm>>
    tpu.wait_indirect_dma semaphore(%arg12 : memref<!tpu.dma_semaphore, #tpu.memory_space<semaphore_mem>>) src(%dma_wait3A_20 : memref<10000x128xf32, #tpu.memory_space<hbm>>) dst(%arg9 : memref<80x128xf32, #tpu.memory_space<vmem>>)
    %run_scoped3A = arith.constant 124 : i32
    "tpu.region"() ({
      %run_scoped3A_31 = tpu.sem_alloc : memref<!tpu.dma_semaphore, #tpu.memory_space<semaphore_mem>>
      %dma_start3A_32 = arith.constant 0 : i32
      %dma_start3A_33 = tpu.memref_slice %arg8[%run_scoped3A, %dma_start3A_32] : memref<125x80xi32, #tpu.memory_space<vmem>> -> memref<1x80xi32, #tpu.memory_space<vmem>>
      %dma_start3A_34 = tpu.memref_squeeze %dma_start3A_33 : memref<1x80xi32, #tpu.memory_space<vmem>> -> memref<80xi32, #tpu.memory_space<vmem>>
      %dma_start3A_35 = arith.constant 0 : i32
      %dma_start3A_36 = arith.constant 0 : i32
      %dma_start3A_37 = tpu.memref_slice %arg11[%dma_start3A_35, %dma_start3A_36] : memref<10240x128xf32, #tpu.memory_space<vmem_shared>> -> memref<10240x128xf32, #tpu.memory_space<vmem_shared>>
      tpu.enqueue_indirect_dma source(%arg9 : memref<80x128xf32, #tpu.memory_space<vmem>>) target(%dma_start3A_37 : memref<10240x128xf32, #tpu.memory_space<vmem_shared>>) offsets(%dma_start3A_34 : memref<80xi32, #tpu.memory_space<vmem>>) semaphore(%run_scoped3A_31 : memref<!tpu.dma_semaphore, #tpu.memory_space<semaphore_mem>>) {add = true}
      %dma_wait3A_38 = arith.constant 0 : i32
      %dma_wait3A_39 = tpu.memref_slice %arg8[%run_scoped3A, %dma_wait3A_38] : memref<125x80xi32, #tpu.memory_space<vmem>> -> memref<1x80xi32, #tpu.memory_space<vmem>>
      %dma_wait3A_40 = tpu.memref_squeeze %dma_wait3A_39 : memref<1x80xi32, #tpu.memory_space<vmem>> -> memref<80xi32, #tpu.memory_space<vmem>>
      %dma_wait3A_41 = arith.constant 0 : i32
      %dma_wait3A_42 = arith.constant 0 : i32
      %dma_wait3A_43 = tpu.memref_slice %arg11[%dma_wait3A_41, %dma_wait3A_42] : memref<10240x128xf32, #tpu.memory_space<vmem_shared>> -> memref<10240x128xf32, #tpu.memory_space<vmem_shared>>
      tpu.wait_indirect_dma semaphore(%run_scoped3A_31 : memref<!tpu.dma_semaphore, #tpu.memory_space<semaphore_mem>>) src(%arg9 : memref<80x128xf32, #tpu.memory_space<vmem>>) dst(%dma_wait3A_43 : memref<10240x128xf32, #tpu.memory_space<vmem_shared>>)
      tpu.yield
    }) : () -> ()
    %dma_wait3A_21 = arith.constant 0 : i32
    %dma_wait3A_22 = tpu.memref_slice %arg7[%dma_wait3A_21] : memref<10000xi32, #tpu.memory_space<vmem>> -> memref<80xi32, #tpu.memory_space<vmem>>
    %dma_wait3A_23 = arith.constant 0 : i32
    %dma_wait3A_24 = arith.constant 0 : i32
    %dma_wait3A_25 = tpu.memref_slice %arg4[%dma_wait3A_23, %dma_wait3A_24] : memref<10000x128xf32, #tpu.memory_space<hbm>> -> memref<10000x128xf32, #tpu.memory_space<hbm>>
    tpu.wait_indirect_dma semaphore(%arg13 : memref<!tpu.dma_semaphore, #tpu.memory_space<semaphore_mem>>) src(%dma_wait3A_25 : memref<10000x128xf32, #tpu.memory_space<hbm>>) dst(%arg10 : memref<80x128xf32, #tpu.memory_space<vmem>>)
    %barrier3A_26 = arith.constant 0 : index
    tpu.barrier barrier_id(%barrier3A_26)
    %mul3A_27 = arith.constant 640 : i32
    %mul3A_28 = arith.muli %arg1, %mul3A_27 : i32
    %mul3A_29 = arith.constant 640 : i32
    %mul3A_30 = arith.muli %arg1, %mul3A_29 : i32
    "tpu.region"() ({
      %run_scoped3A_31 = tpu.sem_alloc : memref<!tpu.dma_semaphore, #tpu.memory_space<semaphore_mem>>
      %dma_start3A_32 = arith.constant 0 : i32
      %dma_start3A_33 = tpu.memref_slice %arg6[%arg0, %mul3A_30, %dma_start3A_32] : memref<2x10240x128xf32, #tpu.memory_space<hbm>> -> memref<1x640x128xf32, #tpu.memory_space<hbm>>
      %dma_start3A_34 = tpu.memref_squeeze %dma_start3A_33 : memref<1x640x128xf32, #tpu.memory_space<hbm>> -> memref<640x128xf32, #tpu.memory_space<hbm>>
      %dma_start3A_35 = arith.constant 0 : i32
      %dma_start3A_36 = tpu.memref_slice %arg11[%mul3A_28, %dma_start3A_35] : memref<10240x128xf32, #tpu.memory_space<vmem_shared>> -> memref<640x128xf32, #tpu.memory_space<vmem_shared>>
      tpu.enqueue_dma source(%dma_start3A_36 : memref<640x128xf32, #tpu.memory_space<vmem_shared>>) target(%dma_start3A_34 : memref<640x128xf32, #tpu.memory_space<hbm>>) target_semaphore(%run_scoped3A_31 : memref<!tpu.dma_semaphore, #tpu.memory_space<semaphore_mem>>)
      %dma_wait3A_37 = arith.constant 0 : i32
      %dma_wait3A_38 = tpu.memref_slice %arg6[%arg0, %mul3A_30, %dma_wait3A_37] : memref<2x10240x128xf32, #tpu.memory_space<hbm>> -> memref<1x640x128xf32, #tpu.memory_space<hbm>>
      %dma_wait3A_39 = tpu.memref_squeeze %dma_wait3A_38 : memref<1x640x128xf32, #tpu.memory_space<hbm>> -> memref<640x128xf32, #tpu.memory_space<hbm>>
      %dma_wait3A_40 = arith.constant 0 : i32
      %dma_wait3A_41 = tpu.memref_slice %arg11[%mul3A_28, %dma_wait3A_40] : memref<10240x128xf32, #tpu.memory_space<vmem_shared>> -> memref<640x128xf32, #tpu.memory_space<vmem_shared>>
      tpu.wait_dma2 semaphore(%run_scoped3A_31 : memref<!tpu.dma_semaphore, #tpu.memory_space<semaphore_mem>>) src(%dma_wait3A_41 : memref<640x128xf32, #tpu.memory_space<vmem_shared>>) dst(%dma_wait3A_39 : memref<640x128xf32, #tpu.memory_space<hbm>>)
      tpu.yield
    }) : () -> ()
    return
  }
}

#map = affine_map<(d0, d1) -> (0, 0)>
#map1 = affine_map<(d0, d1) -> (0, 0, 0)>
module attributes {stable_mosaic.version = 14 : i64} {
  func.func @_edge_body(%arg0: i32, %arg1: i32, %arg2: memref<32x10000xi32, #tpu.memory_space<hbm>>, %arg3: memref<32x125x80xi32, #tpu.memory_space<hbm>>, %arg4: memref<10000x128xf32, #tpu.memory_space<hbm>>, %arg5: memref<640x128xf32, #tpu.memory_space<hbm>>, %arg6: memref<2x10240x128xf32, #tpu.memory_space<hbm>>, %arg7: memref<10000xi32, #tpu.memory_space<vmem>>, %arg8: memref<125x80xi32, #tpu.memory_space<vmem>>, %arg9: memref<80x128xf32, #tpu.memory_space<vmem>>, %arg10: memref<80x128xf32, #tpu.memory_space<vmem>>, %arg11: memref<10240x128xf32, #tpu.memory_space<vmem_shared>>, %arg12: memref<!tpu.dma_semaphore, #tpu.memory_space<semaphore_mem>>, %arg13: memref<!tpu.dma_semaphore, #tpu.memory_space<semaphore_mem>>) attributes {dimension_semantics = [#tpu.dimension_semantics<core_parallel>, #tpu.dimension_semantics<subcore_parallel>], iteration_bounds = array<i64: 2, 16>, scalar_prefetch = 0 : i64, scratch_operands = 7 : i64, tpu.core_type = #tpu.core_type<sc_vector_subcore>, window_params = [{transform_indices = #map}, {transform_indices = #map1}, {transform_indices = #map}, {transform_indices = #map}, {transform_indices = #map1}]} {
    %mul3A = arith.constant 16 : i32
    %mul3A_0 = arith.muli %arg0, %mul3A : i32
    %add3A = arith.addi %mul3A_0, %arg1 : i32
    %mul3A_1 = arith.constant 640 : i32
    %mul3A_2 = arith.muli %arg1, %mul3A_1 : i32
    "tpu.region"() ({
      %run_scoped3A_31 = tpu.sem_alloc : memref<!tpu.dma_semaphore, #tpu.memory_space<semaphore_mem>>
      %dma_start3A_32 = arith.constant 0 : i32
      %dma_start3A_33 = tpu.memref_slice %arg11[%mul3A_2, %dma_start3A_32] : memref<10240x128xf32, #tpu.memory_space<vmem_shared>> -> memref<640x128xf32, #tpu.memory_space<vmem_shared>>
      tpu.enqueue_dma source(%arg5 : memref<640x128xf32, #tpu.memory_space<hbm>>) target(%dma_start3A_33 : memref<640x128xf32, #tpu.memory_space<vmem_shared>>) target_semaphore(%run_scoped3A_31 : memref<!tpu.dma_semaphore, #tpu.memory_space<semaphore_mem>>)
      %dma_wait3A_34 = arith.constant 0 : i32
      %dma_wait3A_35 = tpu.memref_slice %arg11[%mul3A_2, %dma_wait3A_34] : memref<10240x128xf32, #tpu.memory_space<vmem_shared>> -> memref<640x128xf32, #tpu.memory_space<vmem_shared>>
      tpu.wait_dma2 semaphore(%run_scoped3A_31 : memref<!tpu.dma_semaphore, #tpu.memory_space<semaphore_mem>>) src(%arg5 : memref<640x128xf32, #tpu.memory_space<hbm>>) dst(%dma_wait3A_35 : memref<640x128xf32, #tpu.memory_space<vmem_shared>>)
      tpu.yield
    }) : () -> ()
    "tpu.region"() ({
      %run_scoped3A_31 = tpu.sem_alloc : memref<!tpu.dma_semaphore, #tpu.memory_space<semaphore_mem>>
      %dma_start3A_32 = arith.constant 0 : i32
      %dma_start3A_33 = tpu.memref_slice %arg2[%add3A, %dma_start3A_32] : memref<32x10000xi32, #tpu.memory_space<hbm>> -> memref<1x10000xi32, #tpu.memory_space<hbm>>
      %dma_start3A_34 = tpu.memref_squeeze %dma_start3A_33 : memref<1x10000xi32, #tpu.memory_space<hbm>> -> memref<10000xi32, #tpu.memory_space<hbm>>
      %dma_start3A_35 = arith.constant 0 : i32
      %dma_start3A_36 = tpu.memref_slice %arg2[%add3A, %dma_start3A_35] : memref<32x10000xi32, #tpu.memory_space<hbm>> -> memref<1x10000xi32, #tpu.memory_space<hbm>>
      %dma_start3A_37 = tpu.memref_squeeze %dma_start3A_36 : memref<1x10000xi32, #tpu.memory_space<hbm>> -> memref<10000xi32, #tpu.memory_space<hbm>>
      tpu.enqueue_dma source(%dma_start3A_37 : memref<10000xi32, #tpu.memory_space<hbm>>) target(%arg7 : memref<10000xi32, #tpu.memory_space<vmem>>) target_semaphore(%run_scoped3A_31 : memref<!tpu.dma_semaphore, #tpu.memory_space<semaphore_mem>>)
      %dma_wait3A_38 = arith.constant 0 : i32
      %dma_wait3A_39 = tpu.memref_slice %arg2[%add3A, %dma_wait3A_38] : memref<32x10000xi32, #tpu.memory_space<hbm>> -> memref<1x10000xi32, #tpu.memory_space<hbm>>
      %dma_wait3A_40 = tpu.memref_squeeze %dma_wait3A_39 : memref<1x10000xi32, #tpu.memory_space<hbm>> -> memref<10000xi32, #tpu.memory_space<hbm>>
      %dma_wait3A_41 = arith.constant 0 : i32
      %dma_wait3A_42 = tpu.memref_slice %arg2[%add3A, %dma_wait3A_41] : memref<32x10000xi32, #tpu.memory_space<hbm>> -> memref<1x10000xi32, #tpu.memory_space<hbm>>
      %dma_wait3A_43 = tpu.memref_squeeze %dma_wait3A_42 : memref<1x10000xi32, #tpu.memory_space<hbm>> -> memref<10000xi32, #tpu.memory_space<hbm>>
      tpu.wait_dma2 semaphore(%run_scoped3A_31 : memref<!tpu.dma_semaphore, #tpu.memory_space<semaphore_mem>>) src(%dma_wait3A_43 : memref<10000xi32, #tpu.memory_space<hbm>>) dst(%arg7 : memref<10000xi32, #tpu.memory_space<vmem>>)
      tpu.yield
    }) : () -> ()
    "tpu.region"() ({
      %run_scoped3A_31 = tpu.sem_alloc : memref<!tpu.dma_semaphore, #tpu.memory_space<semaphore_mem>>
      %dma_start3A_32 = arith.constant 0 : i32
      %dma_start3A_33 = arith.constant 0 : i32
      %dma_start3A_34 = tpu.memref_slice %arg3[%add3A, %dma_start3A_32, %dma_start3A_33] : memref<32x125x80xi32, #tpu.memory_space<hbm>> -> memref<1x125x80xi32, #tpu.memory_space<hbm>>
      %dma_start3A_35 = tpu.memref_squeeze %dma_start3A_34 : memref<1x125x80xi32, #tpu.memory_space<hbm>> -> memref<125x80xi32, #tpu.memory_space<hbm>>
      %dma_start3A_36 = arith.constant 0 : i32
      %dma_start3A_37 = arith.constant 0 : i32
      %dma_start3A_38 = tpu.memref_slice %arg3[%add3A, %dma_start3A_36, %dma_start3A_37] : memref<32x125x80xi32, #tpu.memory_space<hbm>> -> memref<1x125x80xi32, #tpu.memory_space<hbm>>
      %dma_start3A_39 = tpu.memref_squeeze %dma_start3A_38 : memref<1x125x80xi32, #tpu.memory_space<hbm>> -> memref<125x80xi32, #tpu.memory_space<hbm>>
      tpu.enqueue_dma source(%dma_start3A_39 : memref<125x80xi32, #tpu.memory_space<hbm>>) target(%arg8 : memref<125x80xi32, #tpu.memory_space<vmem>>) target_semaphore(%run_scoped3A_31 : memref<!tpu.dma_semaphore, #tpu.memory_space<semaphore_mem>>)
      %dma_wait3A_40 = arith.constant 0 : i32
      %dma_wait3A_41 = arith.constant 0 : i32
      %dma_wait3A_42 = tpu.memref_slice %arg3[%add3A, %dma_wait3A_40, %dma_wait3A_41] : memref<32x125x80xi32, #tpu.memory_space<hbm>> -> memref<1x125x80xi32, #tpu.memory_space<hbm>>
      %dma_wait3A_43 = tpu.memref_squeeze %dma_wait3A_42 : memref<1x125x80xi32, #tpu.memory_space<hbm>> -> memref<125x80xi32, #tpu.memory_space<hbm>>
      %dma_wait3A_44 = arith.constant 0 : i32
      %dma_wait3A_45 = arith.constant 0 : i32
      %dma_wait3A_46 = tpu.memref_slice %arg3[%add3A, %dma_wait3A_44, %dma_wait3A_45] : memref<32x125x80xi32, #tpu.memory_space<hbm>> -> memref<1x125x80xi32, #tpu.memory_space<hbm>>
      %dma_wait3A_47 = tpu.memref_squeeze %dma_wait3A_46 : memref<1x125x80xi32, #tpu.memory_space<hbm>> -> memref<125x80xi32, #tpu.memory_space<hbm>>
      tpu.wait_dma2 semaphore(%run_scoped3A_31 : memref<!tpu.dma_semaphore, #tpu.memory_space<semaphore_mem>>) src(%dma_wait3A_47 : memref<125x80xi32, #tpu.memory_space<hbm>>) dst(%arg8 : memref<125x80xi32, #tpu.memory_space<vmem>>)
      tpu.yield
    }) : () -> ()
    %barrier3A = arith.constant 0 : index
    tpu.barrier barrier_id(%barrier3A)
    %dma_start3A = arith.constant 0 : i32
    %dma_start3A_3 = tpu.memref_slice %arg7[%dma_start3A] : memref<10000xi32, #tpu.memory_space<vmem>> -> memref<80xi32, #tpu.memory_space<vmem>>
    %dma_start3A_4 = arith.constant 0 : i32
    %dma_start3A_5 = arith.constant 0 : i32
    %dma_start3A_6 = tpu.memref_slice %arg4[%dma_start3A_4, %dma_start3A_5] : memref<10000x128xf32, #tpu.memory_space<hbm>> -> memref<10000x128xf32, #tpu.memory_space<hbm>>
    tpu.enqueue_indirect_dma source(%dma_start3A_6 : memref<10000x128xf32, #tpu.memory_space<hbm>>) target(%arg9 : memref<80x128xf32, #tpu.memory_space<vmem>>) offsets(%dma_start3A_3 : memref<80xi32, #tpu.memory_space<vmem>>) semaphore(%arg12 : memref<!tpu.dma_semaphore, #tpu.memory_space<semaphore_mem>>)
    %dma_start3A_7 = arith.constant 80 : i32
    %dma_start3A_8 = tpu.memref_slice %arg7[%dma_start3A_7] : memref<10000xi32, #tpu.memory_space<vmem>> -> memref<80xi32, #tpu.memory_space<vmem>>
    %dma_start3A_9 = arith.constant 0 : i32
    %dma_start3A_10 = arith.constant 0 : i32
    %dma_start3A_11 = tpu.memref_slice %arg4[%dma_start3A_9, %dma_start3A_10] : memref<10000x128xf32, #tpu.memory_space<hbm>> -> memref<10000x128xf32, #tpu.memory_space<hbm>>
    tpu.enqueue_indirect_dma source(%dma_start3A_11 : memref<10000x128xf32, #tpu.memory_space<hbm>>) target(%arg10 : memref<80x128xf32, #tpu.memory_space<vmem>>) offsets(%dma_start3A_8 : memref<80xi32, #tpu.memory_space<vmem>>) semaphore(%arg13 : memref<!tpu.dma_semaphore, #tpu.memory_space<semaphore_mem>>)
    %scan3A = arith.constant 0 : i32
    %scan3A_12 = arith.constant 0 : i32
    %scan3A_13 = arith.constant 62 : i32
    %scan3A_14 = arith.addi %scan3A_12, %scan3A_13 : i32
    %scan3A_15 = arith.constant 1 : i32
    scf.for %scan3A_31 = %scan3A_12 to %scan3A_14 step %scan3A_15  : i32 {
      %mul3A_32 = arith.constant 2 : i32
      %mul3A_33 = arith.muli %mul3A_32, %scan3A_31 : i32
      %dma_wait3A_34 = arith.constant 0 : i32
      %dma_wait3A_35 = tpu.memref_slice %arg7[%dma_wait3A_34] : memref<10000xi32, #tpu.memory_space<vmem>> -> memref<80xi32, #tpu.memory_space<vmem>>
      %dma_wait3A_36 = arith.constant 0 : i32
      %dma_wait3A_37 = arith.constant 0 : i32
      %dma_wait3A_38 = tpu.memref_slice %arg4[%dma_wait3A_36, %dma_wait3A_37] : memref<10000x128xf32, #tpu.memory_space<hbm>> -> memref<10000x128xf32, #tpu.memory_space<hbm>>
      tpu.wait_indirect_dma semaphore(%arg12 : memref<!tpu.dma_semaphore, #tpu.memory_space<semaphore_mem>>) src(%dma_wait3A_38 : memref<10000x128xf32, #tpu.memory_space<hbm>>) dst(%arg9 : memref<80x128xf32, #tpu.memory_space<vmem>>)
      "tpu.region"() ({
        %run_scoped3A_63 = tpu.sem_alloc : memref<!tpu.dma_semaphore, #tpu.memory_space<semaphore_mem>>
        %dma_start3A_64 = arith.constant 0 : i32
        %dma_start3A_65 = tpu.memref_slice %arg8[%mul3A_33, %dma_start3A_64] : memref<125x80xi32, #tpu.memory_space<vmem>> -> memref<1x80xi32, #tpu.memory_space<vmem>>
        %dma_start3A_66 = tpu.memref_squeeze %dma_start3A_65 : memref<1x80xi32, #tpu.memory_space<vmem>> -> memref<80xi32, #tpu.memory_space<vmem>>
        %dma_start3A_67 = arith.constant 0 : i32
        %dma_start3A_68 = arith.constant 0 : i32
        %dma_start3A_69 = tpu.memref_slice %arg11[%dma_start3A_67, %dma_start3A_68] : memref<10240x128xf32, #tpu.memory_space<vmem_shared>> -> memref<10240x128xf32, #tpu.memory_space<vmem_shared>>
        tpu.enqueue_indirect_dma source(%arg9 : memref<80x128xf32, #tpu.memory_space<vmem>>) target(%dma_start3A_69 : memref<10240x128xf32, #tpu.memory_space<vmem_shared>>) offsets(%dma_start3A_66 : memref<80xi32, #tpu.memory_space<vmem>>) semaphore(%run_scoped3A_63 : memref<!tpu.dma_semaphore, #tpu.memory_space<semaphore_mem>>) {add = true}
        %dma_wait3A_70 = arith.constant 0 : i32
        %dma_wait3A_71 = tpu.memref_slice %arg8[%mul3A_33, %dma_wait3A_70] : memref<125x80xi32, #tpu.memory_space<vmem>> -> memref<1x80xi32, #tpu.memory_space<vmem>>
        %dma_wait3A_72 = tpu.memref_squeeze %dma_wait3A_71 : memref<1x80xi32, #tpu.memory_space<vmem>> -> memref<80xi32, #tpu.memory_space<vmem>>
        %dma_wait3A_73 = arith.constant 0 : i32
        %dma_wait3A_74 = arith.constant 0 : i32
        %dma_wait3A_75 = tpu.memref_slice %arg11[%dma_wait3A_73, %dma_wait3A_74] : memref<10240x128xf32, #tpu.memory_space<vmem_shared>> -> memref<10240x128xf32, #tpu.memory_space<vmem_shared>>
        tpu.wait_indirect_dma semaphore(%run_scoped3A_63 : memref<!tpu.dma_semaphore, #tpu.memory_space<semaphore_mem>>) src(%arg9 : memref<80x128xf32, #tpu.memory_space<vmem>>) dst(%dma_wait3A_75 : memref<10240x128xf32, #tpu.memory_space<vmem_shared>>)
        tpu.yield
      }) : () -> ()
      %add3A_39 = arith.constant 2 : i32
      %add3A_40 = arith.addi %mul3A_33, %add3A_39 : i32
      %mul3A_41 = arith.constant 80 : i32
      %mul3A_42 = arith.muli %add3A_40, %mul3A_41 : i32
      %dma_start3A_43 = tpu.memref_slice %arg7[%mul3A_42] : memref<10000xi32, #tpu.memory_space<vmem>> -> memref<80xi32, #tpu.memory_space<vmem>>
      %dma_start3A_44 = arith.constant 0 : i32
      %dma_start3A_45 = arith.constant 0 : i32
      %dma_start3A_46 = tpu.memref_slice %arg4[%dma_start3A_44, %dma_start3A_45] : memref<10000x128xf32, #tpu.memory_space<hbm>> -> memref<10000x128xf32, #tpu.memory_space<hbm>>
      tpu.enqueue_indirect_dma source(%dma_start3A_46 : memref<10000x128xf32, #tpu.memory_space<hbm>>) target(%arg9 : memref<80x128xf32, #tpu.memory_space<vmem>>) offsets(%dma_start3A_43 : memref<80xi32, #tpu.memory_space<vmem>>) semaphore(%arg12 : memref<!tpu.dma_semaphore, #tpu.memory_space<semaphore_mem>>)
      %dma_wait3A_47 = arith.constant 0 : i32
      %dma_wait3A_48 = tpu.memref_slice %arg7[%dma_wait3A_47] : memref<10000xi32, #tpu.memory_space<vmem>> -> memref<80xi32, #tpu.memory_space<vmem>>
      %dma_wait3A_49 = arith.constant 0 : i32
      %dma_wait3A_50 = arith.constant 0 : i32
      %dma_wait3A_51 = tpu.memref_slice %arg4[%dma_wait3A_49, %dma_wait3A_50] : memref<10000x128xf32, #tpu.memory_space<hbm>> -> memref<10000x128xf32, #tpu.memory_space<hbm>>
      tpu.wait_indirect_dma semaphore(%arg13 : memref<!tpu.dma_semaphore, #tpu.memory_space<semaphore_mem>>) src(%dma_wait3A_51 : memref<10000x128xf32, #tpu.memory_space<hbm>>) dst(%arg10 : memref<80x128xf32, #tpu.memory_space<vmem>>)
      %add3A_52 = arith.constant 1 : i32
      %add3A_53 = arith.addi %mul3A_33, %add3A_52 : i32
      "tpu.region"() ({
        %run_scoped3A_63 = tpu.sem_alloc : memref<!tpu.dma_semaphore, #tpu.memory_space<semaphore_mem>>
        %dma_start3A_64 = arith.constant 0 : i32
        %dma_start3A_65 = tpu.memref_slice %arg8[%add3A_53, %dma_start3A_64] : memref<125x80xi32, #tpu.memory_space<vmem>> -> memref<1x80xi32, #tpu.memory_space<vmem>>
        %dma_start3A_66 = tpu.memref_squeeze %dma_start3A_65 : memref<1x80xi32, #tpu.memory_space<vmem>> -> memref<80xi32, #tpu.memory_space<vmem>>
        %dma_start3A_67 = arith.constant 0 : i32
        %dma_start3A_68 = arith.constant 0 : i32
        %dma_start3A_69 = tpu.memref_slice %arg11[%dma_start3A_67, %dma_start3A_68] : memref<10240x128xf32, #tpu.memory_space<vmem_shared>> -> memref<10240x128xf32, #tpu.memory_space<vmem_shared>>
        tpu.enqueue_indirect_dma source(%arg10 : memref<80x128xf32, #tpu.memory_space<vmem>>) target(%dma_start3A_69 : memref<10240x128xf32, #tpu.memory_space<vmem_shared>>) offsets(%dma_start3A_66 : memref<80xi32, #tpu.memory_space<vmem>>) semaphore(%run_scoped3A_63 : memref<!tpu.dma_semaphore, #tpu.memory_space<semaphore_mem>>) {add = true}
        %dma_wait3A_70 = arith.constant 0 : i32
        %dma_wait3A_71 = tpu.memref_slice %arg8[%add3A_53, %dma_wait3A_70] : memref<125x80xi32, #tpu.memory_space<vmem>> -> memref<1x80xi32, #tpu.memory_space<vmem>>
        %dma_wait3A_72 = tpu.memref_squeeze %dma_wait3A_71 : memref<1x80xi32, #tpu.memory_space<vmem>> -> memref<80xi32, #tpu.memory_space<vmem>>
        %dma_wait3A_73 = arith.constant 0 : i32
        %dma_wait3A_74 = arith.constant 0 : i32
        %dma_wait3A_75 = tpu.memref_slice %arg11[%dma_wait3A_73, %dma_wait3A_74] : memref<10240x128xf32, #tpu.memory_space<vmem_shared>> -> memref<10240x128xf32, #tpu.memory_space<vmem_shared>>
        tpu.wait_indirect_dma semaphore(%run_scoped3A_63 : memref<!tpu.dma_semaphore, #tpu.memory_space<semaphore_mem>>) src(%arg10 : memref<80x128xf32, #tpu.memory_space<vmem>>) dst(%dma_wait3A_75 : memref<10240x128xf32, #tpu.memory_space<vmem_shared>>)
        tpu.yield
      }) : () -> ()
      %add3A_54 = arith.constant 3 : i32
      %add3A_55 = arith.addi %mul3A_33, %add3A_54 : i32
      %min3A = arith.constant 124 : i32
      %min3A_56 = arith.minsi %add3A_55, %min3A : i32
      %mul3A_57 = arith.constant 80 : i32
      %mul3A_58 = arith.muli %min3A_56, %mul3A_57 : i32
      %dma_start3A_59 = tpu.memref_slice %arg7[%mul3A_58] : memref<10000xi32, #tpu.memory_space<vmem>> -> memref<80xi32, #tpu.memory_space<vmem>>
      %dma_start3A_60 = arith.constant 0 : i32
      %dma_start3A_61 = arith.constant 0 : i32
      %dma_start3A_62 = tpu.memref_slice %arg4[%dma_start3A_60, %dma_start3A_61] : memref<10000x128xf32, #tpu.memory_space<hbm>> -> memref<10000x128xf32, #tpu.memory_space<hbm>>
      tpu.enqueue_indirect_dma source(%dma_start3A_62 : memref<10000x128xf32, #tpu.memory_space<hbm>>) target(%arg10 : memref<80x128xf32, #tpu.memory_space<vmem>>) offsets(%dma_start3A_59 : memref<80xi32, #tpu.memory_space<vmem>>) semaphore(%arg13 : memref<!tpu.dma_semaphore, #tpu.memory_space<semaphore_mem>>)
    }
    %scan3A_16 = arith.constant 62 : i32
    %dma_wait3A = arith.constant 0 : i32
    %dma_wait3A_17 = tpu.memref_slice %arg7[%dma_wait3A] : memref<10000xi32, #tpu.memory_space<vmem>> -> memref<80xi32, #tpu.memory_space<vmem>>
    %dma_wait3A_18 = arith.constant 0 : i32
    %dma_wait3A_19 = arith.constant 0 : i32
    %dma_wait3A_20 = tpu.memref_slice %arg4[%dma_wait3A_18, %dma_wait3A_19] : memref<10000x128xf32, #tpu.memory_space<hbm>> -> memref<10000x128xf32, #tpu.memory_space<hbm>>
    tpu.wait_indirect_dma semaphore(%arg12 : memref<!tpu.dma_semaphore, #tpu.memory_space<semaphore_mem>>) src(%dma_wait3A_20 : memref<10000x128xf32, #tpu.memory_space<hbm>>) dst(%arg9 : memref<80x128xf32, #tpu.memory_space<vmem>>)
    %run_scoped3A = arith.constant 124 : i32
    "tpu.region"() ({
      %run_scoped3A_31 = tpu.sem_alloc : memref<!tpu.dma_semaphore, #tpu.memory_space<semaphore_mem>>
      %dma_start3A_32 = arith.constant 0 : i32
      %dma_start3A_33 = tpu.memref_slice %arg8[%run_scoped3A, %dma_start3A_32] : memref<125x80xi32, #tpu.memory_space<vmem>> -> memref<1x80xi32, #tpu.memory_space<vmem>>
      %dma_start3A_34 = tpu.memref_squeeze %dma_start3A_33 : memref<1x80xi32, #tpu.memory_space<vmem>> -> memref<80xi32, #tpu.memory_space<vmem>>
      %dma_start3A_35 = arith.constant 0 : i32
      %dma_start3A_36 = arith.constant 0 : i32
      %dma_start3A_37 = tpu.memref_slice %arg11[%dma_start3A_35, %dma_start3A_36] : memref<10240x128xf32, #tpu.memory_space<vmem_shared>> -> memref<10240x128xf32, #tpu.memory_space<vmem_shared>>
      tpu.enqueue_indirect_dma source(%arg9 : memref<80x128xf32, #tpu.memory_space<vmem>>) target(%dma_start3A_37 : memref<10240x128xf32, #tpu.memory_space<vmem_shared>>) offsets(%dma_start3A_34 : memref<80xi32, #tpu.memory_space<vmem>>) semaphore(%run_scoped3A_31 : memref<!tpu.dma_semaphore, #tpu.memory_space<semaphore_mem>>) {add = true}
      %dma_wait3A_38 = arith.constant 0 : i32
      %dma_wait3A_39 = tpu.memref_slice %arg8[%run_scoped3A, %dma_wait3A_38] : memref<125x80xi32, #tpu.memory_space<vmem>> -> memref<1x80xi32, #tpu.memory_space<vmem>>
      %dma_wait3A_40 = tpu.memref_squeeze %dma_wait3A_39 : memref<1x80xi32, #tpu.memory_space<vmem>> -> memref<80xi32, #tpu.memory_space<vmem>>
      %dma_wait3A_41 = arith.constant 0 : i32
      %dma_wait3A_42 = arith.constant 0 : i32
      %dma_wait3A_43 = tpu.memref_slice %arg11[%dma_wait3A_41, %dma_wait3A_42] : memref<10240x128xf32, #tpu.memory_space<vmem_shared>> -> memref<10240x128xf32, #tpu.memory_space<vmem_shared>>
      tpu.wait_indirect_dma semaphore(%run_scoped3A_31 : memref<!tpu.dma_semaphore, #tpu.memory_space<semaphore_mem>>) src(%arg9 : memref<80x128xf32, #tpu.memory_space<vmem>>) dst(%dma_wait3A_43 : memref<10240x128xf32, #tpu.memory_space<vmem_shared>>)
      tpu.yield
    }) : () -> ()
    %dma_wait3A_21 = arith.constant 0 : i32
    %dma_wait3A_22 = tpu.memref_slice %arg7[%dma_wait3A_21] : memref<10000xi32, #tpu.memory_space<vmem>> -> memref<80xi32, #tpu.memory_space<vmem>>
    %dma_wait3A_23 = arith.constant 0 : i32
    %dma_wait3A_24 = arith.constant 0 : i32
    %dma_wait3A_25 = tpu.memref_slice %arg4[%dma_wait3A_23, %dma_wait3A_24] : memref<10000x128xf32, #tpu.memory_space<hbm>> -> memref<10000x128xf32, #tpu.memory_space<hbm>>
    tpu.wait_indirect_dma semaphore(%arg13 : memref<!tpu.dma_semaphore, #tpu.memory_space<semaphore_mem>>) src(%dma_wait3A_25 : memref<10000x128xf32, #tpu.memory_space<hbm>>) dst(%arg10 : memref<80x128xf32, #tpu.memory_space<vmem>>)
    %barrier3A_26 = arith.constant 0 : index
    tpu.barrier barrier_id(%barrier3A_26)
    %mul3A_27 = arith.constant 640 : i32
    %mul3A_28 = arith.muli %arg1, %mul3A_27 : i32
    %mul3A_29 = arith.constant 640 : i32
    %mul3A_30 = arith.muli %arg1, %mul3A_29 : i32
    "tpu.region"() ({
      %run_scoped3A_31 = tpu.sem_alloc : memref<!tpu.dma_semaphore, #tpu.memory_space<semaphore_mem>>
      %dma_start3A_32 = arith.constant 0 : i32
      %dma_start3A_33 = tpu.memref_slice %arg6[%arg0, %mul3A_30, %dma_start3A_32] : memref<2x10240x128xf32, #tpu.memory_space<hbm>> -> memref<1x640x128xf32, #tpu.memory_space<hbm>>
      %dma_start3A_34 = tpu.memref_squeeze %dma_start3A_33 : memref<1x640x128xf32, #tpu.memory_space<hbm>> -> memref<640x128xf32, #tpu.memory_space<hbm>>
      %dma_start3A_35 = arith.constant 0 : i32
      %dma_start3A_36 = tpu.memref_slice %arg11[%mul3A_28, %dma_start3A_35] : memref<10240x128xf32, #tpu.memory_space<vmem_shared>> -> memref<640x128xf32, #tpu.memory_space<vmem_shared>>
      tpu.enqueue_dma source(%dma_start3A_36 : memref<640x128xf32, #tpu.memory_space<vmem_shared>>) target(%dma_start3A_34 : memref<640x128xf32, #tpu.memory_space<hbm>>) target_semaphore(%run_scoped3A_31 : memref<!tpu.dma_semaphore, #tpu.memory_space<semaphore_mem>>)
      %dma_wait3A_37 = arith.constant 0 : i32
      %dma_wait3A_38 = tpu.memref_slice %arg6[%arg0, %mul3A_30, %dma_wait3A_37] : memref<2x10240x128xf32, #tpu.memory_space<hbm>> -> memref<1x640x128xf32, #tpu.memory_space<hbm>>
      %dma_wait3A_39 = tpu.memref_squeeze %dma_wait3A_38 : memref<1x640x128xf32, #tpu.memory_space<hbm>> -> memref<640x128xf32, #tpu.memory_space<hbm>>
      %dma_wait3A_40 = arith.constant 0 : i32
      %dma_wait3A_41 = tpu.memref_slice %arg11[%mul3A_28, %dma_wait3A_40] : memref<10240x128xf32, #tpu.memory_space<vmem_shared>> -> memref<640x128xf32, #tpu.memory_space<vmem_shared>>
      tpu.wait_dma2 semaphore(%run_scoped3A_31 : memref<!tpu.dma_semaphore, #tpu.memory_space<semaphore_mem>>) src(%dma_wait3A_41 : memref<640x128xf32, #tpu.memory_space<vmem_shared>>) dst(%dma_wait3A_39 : memref<640x128xf32, #tpu.memory_space<hbm>>)
      tpu.yield
    }) : () -> ()
    return
  }
}

module attributes {stable_mosaic.version = 14 : i64} {
  func.func @_prep_body(%arg0: memref<2x10240xf32, #tpu.memory_space<vmem>>, %arg1: memref<10000x128xf32, #tpu.memory_space<vmem>>, %arg2: memref<128x128xf32, #tpu.memory_space<vmem>>, %arg3: memref<10000xi32, #tpu.memory_space<vmem>>, %arg4: memref<10000x1xf32, #tpu.memory_space<vmem>>, %arg5: memref<10000x128xf32, #tpu.memory_space<vmem>>, %arg6: memref<2x64xi32, #tpu.memory_space<vmem>>) attributes {dimension_semantics = [], scalar_prefetch = 0 : i64, scratch_operands = 0 : i64, tpu.core_type = #tpu.core_type<tc>} {
    %get3A = arith.constant 0 : index
    %get3A_0 = arith.constant 0 : index
    %get3A_1 = vector.load %arg0[%get3A, %get3A_0] : memref<2x10240xf32, #tpu.memory_space<vmem>>, vector<1x10000xf32>
    %get3A_2 = vector.shape_cast %get3A_1 : vector<1x10000xf32> to vector<10000xf32>
    %get3A_3 = arith.constant 1 : index
    %get3A_4 = arith.constant 0 : index
    %get3A_5 = vector.load %arg0[%get3A_3, %get3A_4] : memref<2x10240xf32, #tpu.memory_space<vmem>>, vector<1x10000xf32>
    %get3A_6 = vector.shape_cast %get3A_5 : vector<1x10000xf32> to vector<10000xf32>
    %add3A = arith.addf %get3A_2, %get3A_6 : vector<10000xf32>
    %add3A_7 = arith.constant 1.000000e+00 : f32
    %add3A_8 = vector.broadcast %add3A_7 : f32 to vector<10000xf32>
    %add3A_9 = arith.addf %add3A, %add3A_8 : vector<10000xf32>
    %rsqrt3A = math.rsqrt %add3A_9 : vector<10000xf32>
    %reshape3A = vector.shape_cast %rsqrt3A : vector<10000xf32> to vector<10000x1xf32>
    %swap3A = arith.constant 0 : index
    %swap3A_10 = arith.constant 0 : index
    %swap3A_11 = vector.load %arg4[%swap3A, %swap3A_10] : memref<10000x1xf32, #tpu.memory_space<vmem>>, vector<10000x1xf32>
    tpu.vector_store %arg4[%swap3A, %swap3A_10], %reshape3A {strides = array<i32>} : memref<10000x1xf32, #tpu.memory_space<vmem>>, vector<10000x1xf32>,
    %get3A_12 = arith.constant 0 : index
    %get3A_13 = arith.constant 0 : index
    %get3A_14 = vector.load %arg1[%get3A_12, %get3A_13] : memref<10000x128xf32, #tpu.memory_space<vmem>>, vector<10000x128xf32>
    %get3A_15 = arith.constant 0 : index
    %get3A_16 = arith.constant 0 : index
    %get3A_17 = vector.load %arg2[%get3A_15, %get3A_16] : memref<128x128xf32, #tpu.memory_space<vmem>>, vector<128x128xf32>
    %dot_general3A = arith.constant dense<0.000000e+00> : vector<10000x128xf32>
    %dot_general3A_18 = tpu.matmul %get3A_14, %get3A_17, %dot_general3A {dimension_numbers = #tpu.dot_dimension_numbers<[1], [0], [0], [1], [0, 0, 1, 1], [], []>, transpose_lhs_hint = false} : vector<10000x128xf32>, vector<128x128xf32>, vector<10000x128xf32> -> vector<10000x128xf32>
    %mul3A = vector.broadcast %reshape3A : vector<10000x1xf32> to vector<10000x128xf32>
    %mul3A_19 = arith.mulf %dot_general3A_18, %mul3A : vector<10000x128xf32>
    %swap3A_20 = arith.constant 0 : index
    %swap3A_21 = arith.constant 0 : index
    %swap3A_22 = vector.load %arg5[%swap3A_20, %swap3A_21] : memref<10000x128xf32, #tpu.memory_space<vmem>>, vector<10000x128xf32>
    tpu.vector_store %arg5[%swap3A_20, %swap3A_21], %mul3A_19 {strides = array<i32>} : memref<10000x128xf32, #tpu.memory_space<vmem>>, vector<10000x128xf32>,
    %get3A_23 = arith.constant 0 : index
    %get3A_24 = vector.load %arg3[%get3A_23] : memref<10000xi32, #tpu.memory_space<vmem>>, vector<10000xi32>
    %reshape3A_25 = vector.shape_cast %get3A_24 : vector<10000xi32> to vector<10000x1xi32>
    %iota3A = tpu.iota {dimensions = array<i32: 1>} : vector<1x64xi32>
    %lt3A = vector.broadcast %reshape3A_25 : vector<10000x1xi32> to vector<10000x64xi32>
    %lt3A_26 = vector.broadcast %iota3A : vector<1x64xi32> to vector<10000x64xi32>
    %lt3A_27 = arith.cmpi slt, %lt3A, %lt3A_26 : vector<10000x64xi32>
    %convert_element_type3A = arith.extui %lt3A_27 : vector<10000x64xi1> to vector<10000x64xi32>
    %reduce_sum3A = arith.constant dense<0> : vector<64xi32>
    %reduce_sum3A_28 = vector.multi_reduction <add>, %convert_element_type3A, %reduce_sum3A [0] : vector<10000x64xi32> to vector<64xi32>
    %broadcast_in_dim3A = vector.shape_cast %reduce_sum3A_28 : vector<64xi32> to vector<1x64xi32>
    %le3A = vector.broadcast %reshape3A_25 : vector<10000x1xi32> to vector<10000x64xi32>
    %le3A_29 = vector.broadcast %iota3A : vector<1x64xi32> to vector<10000x64xi32>
    %le3A_30 = arith.cmpi sle, %le3A, %le3A_29 : vector<10000x64xi32>
    %convert_element_type3A_31 = arith.extui %le3A_30 : vector<10000x64xi1> to vector<10000x64xi32>
    %reduce_sum3A_32 = arith.constant dense<0> : vector<64xi32>
    %reduce_sum3A_33 = vector.multi_reduction <add>, %convert_element_type3A_31, %reduce_sum3A_32 [0] : vector<10000x64xi32> to vector<64xi32>
    %broadcast_in_dim3A_34 = vector.shape_cast %reduce_sum3A_33 : vector<64xi32> to vector<1x64xi32>
    %concatenate3A = tpu.concatenate %broadcast_in_dim3A, %broadcast_in_dim3A_34 in 0 : vector<1x64xi32>, vector<1x64xi32> -> vector<2x64xi32>
    %swap3A_35 = arith.constant 0 : index
    %swap3A_36 = arith.constant 0 : index
    %swap3A_37 = vector.load %arg6[%swap3A_35, %swap3A_36] : memref<2x64xi32, #tpu.memory_space<vmem>>, vector<2x64xi32>
    tpu.vector_store %arg6[%swap3A_35, %swap3A_36], %concatenate3A {strides = array<i32>} : memref<2x64xi32, #tpu.memory_space<vmem>>, vector<2x64xi32>,
    return
  }
}

module attributes {stable_mosaic.version = 14 : i64} {
  func.func @_mid_body(%arg0: memref<2x10240x128xf32, #tpu.memory_space<vmem>>, %arg1: memref<10000x128xf32, #tpu.memory_space<vmem>>, %arg2: memref<10000x1xf32, #tpu.memory_space<vmem>>, %arg3: memref<1x64xf32, #tpu.memory_space<vmem>>, %arg4: memref<1x64xf32, #tpu.memory_space<vmem>>, %arg5: memref<1x64xf32, #tpu.memory_space<vmem>>, %arg6: memref<1x64xf32, #tpu.memory_space<vmem>>, %arg7: memref<1x64xf32, #tpu.memory_space<vmem>>, %arg8: memref<1x64xf32, #tpu.memory_space<vmem>>, %arg9: memref<64x128xf32, #tpu.memory_space<vmem>>, %arg10: memref<10000x128xf32, #tpu.memory_space<vmem>>) attributes {dimension_semantics = [], scalar_prefetch = 0 : i64, scratch_operands = 0 : i64, tpu.core_type = #tpu.core_type<tc>} {
    %get3A = arith.constant 0 : index
    %get3A_0 = arith.constant 0 : index
    %get3A_1 = vector.load %arg2[%get3A, %get3A_0] : memref<10000x1xf32, #tpu.memory_space<vmem>>, vector<10000x1xf32>
    %get3A_2 = arith.constant 0 : index
    %get3A_3 = arith.constant 0 : index
    %get3A_4 = vector.load %arg1[%get3A_2, %get3A_3] : memref<10000x128xf32, #tpu.memory_space<vmem>>, vector<10000x64xf32>
    %get3A_5 = arith.constant 0 : index
    %get3A_6 = arith.constant 0 : index
    %get3A_7 = vector.load %arg3[%get3A_5, %get3A_6] : memref<1x64xf32, #tpu.memory_space<vmem>>, vector<1x64xf32>
    %get3A_8 = arith.constant 0 : index
    %get3A_9 = arith.constant 0 : index
    %get3A_10 = vector.load %arg4[%get3A_8, %get3A_9] : memref<1x64xf32, #tpu.memory_space<vmem>>, vector<1x64xf32>
    %get3A_11 = arith.constant 0 : index
    %get3A_12 = arith.constant 0 : index
    %get3A_13 = vector.load %arg5[%get3A_11, %get3A_12] : memref<1x64xf32, #tpu.memory_space<vmem>>, vector<1x64xf32>
    %get3A_14 = arith.constant 0 : index
    %get3A_15 = arith.constant 0 : index
    %get3A_16 = vector.load %arg6[%get3A_14, %get3A_15] : memref<1x64xf32, #tpu.memory_space<vmem>>, vector<1x64xf32>
    %get3A_17 = arith.constant 0 : index
    %get3A_18 = arith.constant 0 : index
    %get3A_19 = vector.load %arg7[%get3A_17, %get3A_18] : memref<1x64xf32, #tpu.memory_space<vmem>>, vector<1x64xf32>
    %get3A_20 = arith.constant 0 : index
    %get3A_21 = arith.constant 0 : index
    %get3A_22 = vector.load %arg8[%get3A_20, %get3A_21] : memref<1x64xf32, #tpu.memory_space<vmem>>, vector<1x64xf32>
    %get3A_23 = arith.constant 0 : index
    %get3A_24 = arith.constant 0 : index
    %get3A_25 = arith.constant 0 : index
    %get3A_26 = vector.load %arg0[%get3A_23, %get3A_24, %get3A_25] : memref<2x10240x128xf32, #tpu.memory_space<vmem>>, vector<1x10000x64xf32>
    %get3A_27 = vector.shape_cast %get3A_26 : vector<1x10000x64xf32> to vector<10000x64xf32>
    %get3A_28 = arith.constant 1 : index
    %get3A_29 = arith.constant 0 : index
    %get3A_30 = arith.constant 0 : index
    %get3A_31 = vector.load %arg0[%get3A_28, %get3A_29, %get3A_30] : memref<2x10240x128xf32, #tpu.memory_space<vmem>>, vector<1x10000x64xf32>
    %get3A_32 = vector.shape_cast %get3A_31 : vector<1x10000x64xf32> to vector<10000x64xf32>
    %add3A = arith.addf %get3A_27, %get3A_32 : vector<10000x64xf32>
    %add3A_33 = arith.addf %add3A, %get3A_4 : vector<10000x64xf32>
    %mul3A = vector.broadcast %get3A_1 : vector<10000x1xf32> to vector<10000x64xf32>
    %mul3A_34 = arith.mulf %add3A_33, %mul3A : vector<10000x64xf32>
    %add3A_35 = vector.broadcast %get3A_7 : vector<1x64xf32> to vector<10000x64xf32>
    %add3A_36 = arith.addf %mul3A_34, %add3A_35 : vector<10000x64xf32>
    %max3A = arith.constant 0.000000e+00 : f32
    %max3A_37 = vector.broadcast %max3A : f32 to vector<10000x64xf32>
    %max3A_38 = arith.maximumf %add3A_36, %max3A_37 : vector<10000x64xf32>
    %reduce_sum3A = arith.constant dense<0.000000e+00> : vector<64xf32>
    %reduce_sum3A_39 = vector.multi_reduction <add>, %max3A_38, %reduce_sum3A [0] : vector<10000x64xf32> to vector<64xf32>
    %broadcast_in_dim3A = vector.shape_cast %reduce_sum3A_39 : vector<64xf32> to vector<1x64xf32>
    %div3A = arith.constant 1.000000e+04 : f32
    %div3A_40 = vector.broadcast %div3A : f32 to vector<1x64xf32>
    %div3A_41 = arith.divf %broadcast_in_dim3A, %div3A_40 : vector<1x64xf32>
    %mul3A_42 = arith.mulf %get3A_16, %div3A_41 : vector<1x64xf32>
    %sub3A = vector.broadcast %mul3A_42 : vector<1x64xf32> to vector<10000x64xf32>
    %sub3A_43 = arith.subf %max3A_38, %sub3A : vector<10000x64xf32>
    %mul3A_44 = arith.mulf %sub3A_43, %sub3A_43 : vector<10000x64xf32>
    %reduce_sum3A_45 = arith.constant dense<0.000000e+00> : vector<64xf32>
    %reduce_sum3A_46 = vector.multi_reduction <add>, %mul3A_44, %reduce_sum3A_45 [0] : vector<10000x64xf32> to vector<64xf32>
    %broadcast_in_dim3A_47 = vector.shape_cast %reduce_sum3A_46 : vector<64xf32> to vector<1x64xf32>
    %div3A_48 = arith.constant 1.000000e+04 : f32
    %div3A_49 = vector.broadcast %div3A_48 : f32 to vector<1x64xf32>
    %div3A_50 = arith.divf %broadcast_in_dim3A_47, %div3A_49 : vector<1x64xf32>
    %add3A_51 = arith.constant 9.99999974E-6 : f32
    %add3A_52 = vector.broadcast %add3A_51 : f32 to vector<1x64xf32>
    %add3A_53 = arith.addf %div3A_50, %add3A_52 : vector<1x64xf32>
    %rsqrt3A = math.rsqrt %add3A_53 : vector<1x64xf32>
    %mul3A_54 = vector.broadcast %rsqrt3A : vector<1x64xf32> to vector<10000x64xf32>
    %mul3A_55 = arith.mulf %sub3A_43, %mul3A_54 : vector<10000x64xf32>
    %mul3A_56 = vector.broadcast %get3A_10 : vector<1x64xf32> to vector<10000x64xf32>
    %mul3A_57 = arith.mulf %mul3A_55, %mul3A_56 : vector<10000x64xf32>
    %add3A_58 = vector.broadcast %get3A_13 : vector<1x64xf32> to vector<10000x64xf32>
    %add3A_59 = arith.addf %mul3A_57, %add3A_58 : vector<10000x64xf32>
    %reduce_sum3A_60 = arith.constant dense<0.000000e+00> : vector<10000xf32>
    %reduce_sum3A_61 = vector.multi_reduction <add>, %add3A_59, %reduce_sum3A_60 [1] : vector<10000x64xf32> to vector<10000xf32>
    %broadcast_in_dim3A_62 = vector.shape_cast %reduce_sum3A_61 : vector<10000xf32> to vector<10000x1xf32>
    %div3A_63 = arith.constant 6.400000e+01 : f32
    %div3A_64 = vector.broadcast %div3A_63 : f32 to vector<10000x1xf32>
    %div3A_65 = arith.divf %broadcast_in_dim3A_62, %div3A_64 : vector<10000x1xf32>
    %sub3A_66 = vector.broadcast %div3A_65 : vector<10000x1xf32> to vector<10000x64xf32>
    %sub3A_67 = arith.subf %add3A_59, %sub3A_66 : vector<10000x64xf32>
    %integer_pow3A = arith.mulf %sub3A_67, %sub3A_67 : vector<10000x64xf32>
    %reduce_sum3A_68 = arith.constant dense<0.000000e+00> : vector<10000xf32>
    %reduce_sum3A_69 = vector.multi_reduction <add>, %integer_pow3A, %reduce_sum3A_68 [1] : vector<10000x64xf32> to vector<10000xf32>
    %broadcast_in_dim3A_70 = vector.shape_cast %reduce_sum3A_69 : vector<10000xf32> to vector<10000x1xf32>
    %div3A_71 = arith.constant 6.400000e+01 : f32
    %div3A_72 = vector.broadcast %div3A_71 : f32 to vector<10000x1xf32>
    %div3A_73 = arith.divf %broadcast_in_dim3A_70, %div3A_72 : vector<10000x1xf32>
    %sub3A_74 = vector.broadcast %div3A_65 : vector<10000x1xf32> to vector<10000x64xf32>
    %sub3A_75 = arith.subf %add3A_59, %sub3A_74 : vector<10000x64xf32>
    %add3A_76 = arith.constant 9.99999974E-6 : f32
    %add3A_77 = vector.broadcast %add3A_76 : f32 to vector<10000x1xf32>
    %add3A_78 = arith.addf %div3A_73, %add3A_77 : vector<10000x1xf32>
    %rsqrt3A_79 = math.rsqrt %add3A_78 : vector<10000x1xf32>
    %mul3A_80 = vector.broadcast %rsqrt3A_79 : vector<10000x1xf32> to vector<10000x64xf32>
    %mul3A_81 = arith.mulf %sub3A_75, %mul3A_80 : vector<10000x64xf32>
    %mul3A_82 = vector.broadcast %get3A_19 : vector<1x64xf32> to vector<10000x64xf32>
    %mul3A_83 = arith.mulf %mul3A_81, %mul3A_82 : vector<10000x64xf32>
    %add3A_84 = vector.broadcast %get3A_22 : vector<1x64xf32> to vector<10000x64xf32>
    %add3A_85 = arith.addf %mul3A_83, %add3A_84 : vector<10000x64xf32>
    %get3A_86 = arith.constant 0 : index
    %get3A_87 = arith.constant 0 : index
    %get3A_88 = vector.load %arg9[%get3A_86, %get3A_87] : memref<64x128xf32, #tpu.memory_space<vmem>>, vector<64x128xf32>
    %dot_general3A = arith.constant dense<0.000000e+00> : vector<10000x128xf32>
    %dot_general3A_89 = tpu.matmul %add3A_85, %get3A_88, %dot_general3A {dimension_numbers = #tpu.dot_dimension_numbers<[1], [0], [0], [1], [0, 0, 1, 1], [], []>, transpose_lhs_hint = false} : vector<10000x64xf32>, vector<64x128xf32>, vector<10000x128xf32> -> vector<10000x128xf32>
    %mul3A_90 = vector.broadcast %get3A_1 : vector<10000x1xf32> to vector<10000x128xf32>
    %mul3A_91 = arith.mulf %dot_general3A_89, %mul3A_90 : vector<10000x128xf32>
    %swap3A = arith.constant 0 : index
    %swap3A_92 = arith.constant 0 : index
    %swap3A_93 = vector.load %arg10[%swap3A, %swap3A_92] : memref<10000x128xf32, #tpu.memory_space<vmem>>, vector<10000x128xf32>
    tpu.vector_store %arg10[%swap3A, %swap3A_92], %mul3A_91 {strides = array<i32>} : memref<10000x128xf32, #tpu.memory_space<vmem>>, vector<10000x128xf32>,
    return
  }
}

module attributes {stable_mosaic.version = 14 : i64} {
  func.func @_final_body(%arg0: memref<2x10240x128xf32, #tpu.memory_space<vmem>>, %arg1: memref<10000x128xf32, #tpu.memory_space<vmem>>, %arg2: memref<10000x1xf32, #tpu.memory_space<vmem>>, %arg3: memref<1x64xf32, #tpu.memory_space<vmem>>, %arg4: memref<1x64xf32, #tpu.memory_space<vmem>>, %arg5: memref<1x64xf32, #tpu.memory_space<vmem>>, %arg6: memref<1x64xf32, #tpu.memory_space<vmem>>, %arg7: memref<1x64xf32, #tpu.memory_space<vmem>>, %arg8: memref<1x64xf32, #tpu.memory_space<vmem>>, %arg9: memref<10240xi32, #tpu.memory_space<vmem>>, %arg10: memref<2x64xi32, #tpu.memory_space<smem>>, %arg11: memref<64x64xf32, #tpu.memory_space<vmem>>, %arg12: memref<1x64xf32, #tpu.memory_space<vmem>>, %arg13: memref<64x64xf32, #tpu.memory_space<vmem>>, %arg14: memref<10240x64xf32, #tpu.memory_space<vmem>>) attributes {dimension_semantics = [], scalar_prefetch = 0 : i64, scratch_operands = 1 : i64, tpu.core_type = #tpu.core_type<tc>} {
    %get3A = arith.constant 0 : index
    %get3A_0 = arith.constant 0 : index
    %get3A_1 = vector.load %arg1[%get3A, %get3A_0] : memref<10000x128xf32, #tpu.memory_space<vmem>>, vector<10000x64xf32>
    %get3A_2 = arith.constant 0 : index
    %get3A_3 = arith.constant 0 : index
    %get3A_4 = vector.load %arg2[%get3A_2, %get3A_3] : memref<10000x1xf32, #tpu.memory_space<vmem>>, vector<10000x1xf32>
    %get3A_5 = arith.constant 0 : index
    %get3A_6 = arith.constant 0 : index
    %get3A_7 = vector.load %arg3[%get3A_5, %get3A_6] : memref<1x64xf32, #tpu.memory_space<vmem>>, vector<1x64xf32>
    %get3A_8 = arith.constant 0 : index
    %get3A_9 = arith.constant 0 : index
    %get3A_10 = vector.load %arg4[%get3A_8, %get3A_9] : memref<1x64xf32, #tpu.memory_space<vmem>>, vector<1x64xf32>
    %get3A_11 = arith.constant 0 : index
    %get3A_12 = arith.constant 0 : index
    %get3A_13 = vector.load %arg5[%get3A_11, %get3A_12] : memref<1x64xf32, #tpu.memory_space<vmem>>, vector<1x64xf32>
    %get3A_14 = arith.constant 0 : index
    %get3A_15 = arith.constant 0 : index
    %get3A_16 = vector.load %arg6[%get3A_14, %get3A_15] : memref<1x64xf32, #tpu.memory_space<vmem>>, vector<1x64xf32>
    %get3A_17 = arith.constant 0 : index
    %get3A_18 = arith.constant 0 : index
    %get3A_19 = vector.load %arg7[%get3A_17, %get3A_18] : memref<1x64xf32, #tpu.memory_space<vmem>>, vector<1x64xf32>
    %get3A_20 = arith.constant 0 : index
    %get3A_21 = arith.constant 0 : index
    %get3A_22 = vector.load %arg8[%get3A_20, %get3A_21] : memref<1x64xf32, #tpu.memory_space<vmem>>, vector<1x64xf32>
    %get3A_23 = arith.constant 0 : index
    %get3A_24 = arith.constant 0 : index
    %get3A_25 = arith.constant 0 : index
    %get3A_26 = vector.load %arg0[%get3A_23, %get3A_24, %get3A_25] : memref<2x10240x128xf32, #tpu.memory_space<vmem>>, vector<1x10000x64xf32>
    %get3A_27 = vector.shape_cast %get3A_26 : vector<1x10000x64xf32> to vector<10000x64xf32>
    %get3A_28 = arith.constant 1 : index
    %get3A_29 = arith.constant 0 : index
    %get3A_30 = arith.constant 0 : index
    %get3A_31 = vector.load %arg0[%get3A_28, %get3A_29, %get3A_30] : memref<2x10240x128xf32, #tpu.memory_space<vmem>>, vector<1x10000x64xf32>
    %get3A_32 = vector.shape_cast %get3A_31 : vector<1x10000x64xf32> to vector<10000x64xf32>
    %add3A = arith.addf %get3A_27, %get3A_32 : vector<10000x64xf32>
    %add3A_33 = arith.addf %add3A, %get3A_1 : vector<10000x64xf32>
    %mul3A = vector.broadcast %get3A_4 : vector<10000x1xf32> to vector<10000x64xf32>
    %mul3A_34 = arith.mulf %add3A_33, %mul3A : vector<10000x64xf32>
    %add3A_35 = vector.broadcast %get3A_7 : vector<1x64xf32> to vector<10000x64xf32>
    %add3A_36 = arith.addf %mul3A_34, %add3A_35 : vector<10000x64xf32>
    %max3A = arith.constant 0.000000e+00 : f32
    %max3A_37 = vector.broadcast %max3A : f32 to vector<10000x64xf32>
    %max3A_38 = arith.maximumf %add3A_36, %max3A_37 : vector<10000x64xf32>
    %reduce_sum3A = arith.constant dense<0.000000e+00> : vector<64xf32>
    %reduce_sum3A_39 = vector.multi_reduction <add>, %max3A_38, %reduce_sum3A [0] : vector<10000x64xf32> to vector<64xf32>
    %broadcast_in_dim3A = vector.shape_cast %reduce_sum3A_39 : vector<64xf32> to vector<1x64xf32>
    %div3A = arith.constant 1.000000e+04 : f32
    %div3A_40 = vector.broadcast %div3A : f32 to vector<1x64xf32>
    %div3A_41 = arith.divf %broadcast_in_dim3A, %div3A_40 : vector<1x64xf32>
    %mul3A_42 = arith.mulf %get3A_16, %div3A_41 : vector<1x64xf32>
    %sub3A = vector.broadcast %mul3A_42 : vector<1x64xf32> to vector<10000x64xf32>
    %sub3A_43 = arith.subf %max3A_38, %sub3A : vector<10000x64xf32>
    %mul3A_44 = arith.mulf %sub3A_43, %sub3A_43 : vector<10000x64xf32>
    %reduce_sum3A_45 = arith.constant dense<0.000000e+00> : vector<64xf32>
    %reduce_sum3A_46 = vector.multi_reduction <add>, %mul3A_44, %reduce_sum3A_45 [0] : vector<10000x64xf32> to vector<64xf32>
    %broadcast_in_dim3A_47 = vector.shape_cast %reduce_sum3A_46 : vector<64xf32> to vector<1x64xf32>
    %div3A_48 = arith.constant 1.000000e+04 : f32
    %div3A_49 = vector.broadcast %div3A_48 : f32 to vector<1x64xf32>
    %div3A_50 = arith.divf %broadcast_in_dim3A_47, %div3A_49 : vector<1x64xf32>
    %add3A_51 = arith.constant 9.99999974E-6 : f32
    %add3A_52 = vector.broadcast %add3A_51 : f32 to vector<1x64xf32>
    %add3A_53 = arith.addf %div3A_50, %add3A_52 : vector<1x64xf32>
    %rsqrt3A = math.rsqrt %add3A_53 : vector<1x64xf32>
    %mul3A_54 = vector.broadcast %rsqrt3A : vector<1x64xf32> to vector<10000x64xf32>
    %mul3A_55 = arith.mulf %sub3A_43, %mul3A_54 : vector<10000x64xf32>
    %mul3A_56 = vector.broadcast %get3A_10 : vector<1x64xf32> to vector<10000x64xf32>
    %mul3A_57 = arith.mulf %mul3A_55, %mul3A_56 : vector<10000x64xf32>
    %add3A_58 = vector.broadcast %get3A_13 : vector<1x64xf32> to vector<10000x64xf32>
    %add3A_59 = arith.addf %mul3A_57, %add3A_58 : vector<10000x64xf32>
    %reduce_sum3A_60 = arith.constant dense<0.000000e+00> : vector<10000xf32>
    %reduce_sum3A_61 = vector.multi_reduction <add>, %add3A_59, %reduce_sum3A_60 [1] : vector<10000x64xf32> to vector<10000xf32>
    %broadcast_in_dim3A_62 = vector.shape_cast %reduce_sum3A_61 : vector<10000xf32> to vector<10000x1xf32>
    %div3A_63 = arith.constant 6.400000e+01 : f32
    %div3A_64 = vector.broadcast %div3A_63 : f32 to vector<10000x1xf32>
    %div3A_65 = arith.divf %broadcast_in_dim3A_62, %div3A_64 : vector<10000x1xf32>
    %sub3A_66 = vector.broadcast %div3A_65 : vector<10000x1xf32> to vector<10000x64xf32>
    %sub3A_67 = arith.subf %add3A_59, %sub3A_66 : vector<10000x64xf32>
    %integer_pow3A = arith.mulf %sub3A_67, %sub3A_67 : vector<10000x64xf32>
    %reduce_sum3A_68 = arith.constant dense<0.000000e+00> : vector<10000xf32>
    %reduce_sum3A_69 = vector.multi_reduction <add>, %integer_pow3A, %reduce_sum3A_68 [1] : vector<10000x64xf32> to vector<10000xf32>
    %broadcast_in_dim3A_70 = vector.shape_cast %reduce_sum3A_69 : vector<10000xf32> to vector<10000x1xf32>
    %div3A_71 = arith.constant 6.400000e+01 : f32
    %div3A_72 = vector.broadcast %div3A_71 : f32 to vector<10000x1xf32>
    %div3A_73 = arith.divf %broadcast_in_dim3A_70, %div3A_72 : vector<10000x1xf32>
    %sub3A_74 = vector.broadcast %div3A_65 : vector<10000x1xf32> to vector<10000x64xf32>
    %sub3A_75 = arith.subf %add3A_59, %sub3A_74 : vector<10000x64xf32>
    %add3A_76 = arith.constant 9.99999974E-6 : f32
    %add3A_77 = vector.broadcast %add3A_76 : f32 to vector<10000x1xf32>
    %add3A_78 = arith.addf %div3A_73, %add3A_77 : vector<10000x1xf32>
    %rsqrt3A_79 = math.rsqrt %add3A_78 : vector<10000x1xf32>
    %mul3A_80 = vector.broadcast %rsqrt3A_79 : vector<10000x1xf32> to vector<10000x64xf32>
    %mul3A_81 = arith.mulf %sub3A_75, %mul3A_80 : vector<10000x64xf32>
    %mul3A_82 = vector.broadcast %get3A_19 : vector<1x64xf32> to vector<10000x64xf32>
    %mul3A_83 = arith.mulf %mul3A_81, %mul3A_82 : vector<10000x64xf32>
    %add3A_84 = vector.broadcast %get3A_22 : vector<1x64xf32> to vector<10000x64xf32>
    %add3A_85 = arith.addf %mul3A_83, %add3A_84 : vector<10000x64xf32>
    %swap3A = arith.constant 0 : index
    %swap3A_86 = arith.constant 0 : index
    %swap3A_87 = vector.load %arg14[%swap3A, %swap3A_86] : memref<10240x64xf32, #tpu.memory_space<vmem>>, vector<10000x64xf32>
    tpu.vector_store %arg14[%swap3A, %swap3A_86], %add3A_85 {strides = array<i32>} : memref<10240x64xf32, #tpu.memory_space<vmem>>, vector<10000x64xf32>,
    %iota3A = tpu.iota {dimensions = array<i32: 0>} : vector<64x1xi32>
    %broadcast_in_dim3A_88 = arith.constant 0xFF800000 : f32
    %broadcast_in_dim3A_89 = vector.broadcast %broadcast_in_dim3A_88 : f32 to vector<64x64xf32>
    %scan3A = arith.constant 0xFF800000 : f32
    %scan3A_90 = arith.constant 0 : i32
    %scan3A_91 = arith.constant 64 : i32
    %scan3A_92 = arith.addi %scan3A_90, %scan3A_91 : i32
    %scan3A_93 = arith.constant 1 : i32
    %scan3A_94 = scf.for %scan3A_108 = %scan3A_90 to %scan3A_92 step %scan3A_93 iter_args(%scan3A_109 = %broadcast_in_dim3A_89) -> (vector<64x64xf32>)  : i32 {
      %get3A_110 = arith.constant 0 : index
      %get3A_111 = arith.index_cast %scan3A_108 : i32 to index
      %get3A_112 = memref.load %arg10[%get3A_110, %get3A_111] : memref<2x64xi32, #tpu.memory_space<smem>>
      %jit3A = arith.constant 128 : i32
      %div3A_113 = arith.divsi %get3A_112, %jit3A : i32
      %sign3A = arith.constant 0 : i32
      %sign3A_114 = arith.cmpi sgt, %get3A_112, %sign3A : i32
      %sign3A_115 = arith.extui %sign3A_114 : i1 to i32
      %sign3A_116 = arith.constant 0 : i32
      %sign3A_117 = arith.cmpi slt, %get3A_112, %sign3A_116 : i32
      %sign3A_118 = arith.extui %sign3A_117 : i1 to i32
      %sign3A_119 = arith.subi %sign3A_115, %sign3A_118 : i32
      %sign3A_120 = arith.constant 0 : i32
      %sign3A_121 = arith.cmpi sgt, %jit3A, %sign3A_120 : i32
      %sign3A_122 = arith.extui %sign3A_121 : i1 to i32
      %sign3A_123 = arith.constant 0 : i32
      %sign3A_124 = arith.cmpi slt, %jit3A, %sign3A_123 : i32
      %sign3A_125 = arith.extui %sign3A_124 : i1 to i32
      %sign3A_126 = arith.subi %sign3A_122, %sign3A_125 : i32
      %ne3A = arith.cmpi ne, %sign3A_119, %sign3A_126 : i32
      %rem3A = arith.remsi %get3A_112, %jit3A : i32
      %ne3A_127 = arith.constant 0 : i32
      %ne3A_128 = arith.cmpi ne, %rem3A, %ne3A_127 : i32
      %and3A = arith.andi %ne3A, %ne3A_128 : i1
      %sub3A_129 = arith.constant 1 : i32
      %sub3A_130 = arith.subi %div3A_113, %sub3A_129 : i32
      %select_n3A = arith.select %and3A, %sub3A_130, %div3A_113 : i32
      %mul3A_131 = arith.constant 128 : i32
      %mul3A_132 = arith.muli %select_n3A, %mul3A_131 : i32
      %get3A_133 = arith.constant 1 : index
      %get3A_134 = arith.index_cast %scan3A_108 : i32 to index
      %get3A_135 = memref.load %arg10[%get3A_133, %get3A_134] : memref<2x64xi32, #tpu.memory_space<smem>>
      %sub3A_136 = arith.subi %get3A_135, %mul3A_132 : i32
      %broadcast_in_dim3A_137 = vector.broadcast %scan3A : f32 to vector<1x64xf32>
      %while3A = arith.constant 0 : i32
      %while3A_138:2 = scf.while (%while3A_145 = %while3A, %while3A_146 = %broadcast_in_dim3A_137) : (i32, vector<1x64xf32>) -> (i32, vector<1x64xf32>) {
        %mul3A_147 = arith.constant 256 : i32
        %mul3A_148 = arith.muli %while3A_145, %mul3A_147 : i32
        %lt3A = arith.cmpi slt, %mul3A_148, %sub3A_136 : i32
        scf.condition(%lt3A) %while3A_145, %while3A_146 : i32, vector<1x64xf32>
      } do {
      ^bb0(%while3A_145: i32, %while3A_146: vector<1x64xf32>):
        %mul3A_147 = arith.constant 256 : i32
        %mul3A_148 = arith.muli %while3A_145, %mul3A_147 : i32
        %add3A_149 = arith.addi %mul3A_132, %mul3A_148 : i32
        %min3A = arith.constant 9984 : i32
        %min3A_150 = arith.minsi %add3A_149, %min3A : i32
        %multiple_of3A = tpu.assume_multiple %min3A_150, 128 : i32
        %get3A_151 = arith.index_cast %multiple_of3A : i32 to index
        %get3A_152 = arith.constant 0 : index
        %get3A_153 = vector.load %arg14[%get3A_151, %get3A_152] : memref<10240x64xf32, #tpu.memory_space<vmem>>, vector<256x64xf32>
        %get3A_154 = arith.index_cast %multiple_of3A : i32 to index
        %get3A_155 = vector.load %arg9[%get3A_154] : memref<10240xi32, #tpu.memory_space<vmem>>, vector<256xi32>
        %reshape3A = vector.shape_cast %get3A_155 : vector<256xi32> to vector<256x1xi32>
        %eq3A_156 = vector.broadcast %scan3A_108 : i32 to vector<256x1xi32>
        %eq3A_157 = arith.cmpi eq, %reshape3A, %eq3A_156 : vector<256x1xi32>
        %broadcast_in_dim3A_158 = vector.shape_cast %eq3A_157 : vector<256x1xi1> to vector<256x1xi1>
        %broadcast_in_dim3A_159 = vector.broadcast %broadcast_in_dim3A_158 : vector<256x1xi1> to vector<256x64xi1>
        %broadcast_in_dim3A_160 = vector.broadcast %scan3A : f32 to vector<256x64xf32>
        %select_n3A_161 = arith.select %broadcast_in_dim3A_159, %get3A_153, %broadcast_in_dim3A_160 : vector<256x64xi1>, vector<256x64xf32>
        %reduce_max3A = arith.constant dense<0xFF800000> : vector<64xf32>
        %reduce_max3A_162 = vector.multi_reduction <maximumf>, %select_n3A_161, %reduce_max3A [0] : vector<256x64xf32> to vector<64xf32>
        %broadcast_in_dim3A_163 = vector.shape_cast %reduce_max3A_162 : vector<64xf32> to vector<1x64xf32>
        %add3A_164 = arith.constant 1 : i32
        %add3A_165 = arith.addi %while3A_145, %add3A_164 : i32
        %max3A_166 = arith.maximumf %while3A_146, %broadcast_in_dim3A_163 : vector<1x64xf32>
        scf.yield %add3A_165, %max3A_166 : i32, vector<1x64xf32>
      }
      %eq3A = vector.broadcast %scan3A_108 : i32 to vector<64x1xi32>
      %eq3A_139 = arith.cmpi eq, %iota3A, %eq3A : vector<64x1xi32>
      %broadcast_in_dim3A_140 = vector.shape_cast %eq3A_139 : vector<64x1xi1> to vector<64x1xi1>
      %broadcast_in_dim3A_141 = vector.broadcast %broadcast_in_dim3A_140 : vector<64x1xi1> to vector<64x64xi1>
      %broadcast_in_dim3A_142 = vector.shape_cast %while3A_138#1 : vector<1x64xf32> to vector<1x64xf32>
      %broadcast_in_dim3A_143 = vector.broadcast %broadcast_in_dim3A_142 : vector<1x64xf32> to vector<64x64xf32>
      %select_n3A_144 = arith.select %broadcast_in_dim3A_141, %broadcast_in_dim3A_143, %scan3A_109 : vector<64x64xi1>, vector<64x64xf32>
      scf.yield %select_n3A_144 : vector<64x64xf32>
    }
    %scan3A_95 = arith.constant 64 : i32
    %get3A_96 = arith.constant 0 : index
    %get3A_97 = arith.constant 0 : index
    %get3A_98 = vector.load %arg11[%get3A_96, %get3A_97] : memref<64x64xf32, #tpu.memory_space<vmem>>, vector<64x64xf32>
    %dot_general3A = arith.constant dense<0.000000e+00> : vector<64x64xf32>
    %dot_general3A_99 = tpu.matmul %scan3A_94, %get3A_98, %dot_general3A {dimension_numbers = #tpu.dot_dimension_numbers<[1], [0], [0], [1], [0, 0, 1, 1], [], []>, transpose_lhs_hint = false} : vector<64x64xf32>, vector<64x64xf32>, vector<64x64xf32> -> vector<64x64xf32>
    %get3A_100 = arith.constant 0 : index
    %get3A_101 = arith.constant 0 : index
    %get3A_102 = vector.load %arg12[%get3A_100, %get3A_101] : memref<1x64xf32, #tpu.memory_space<vmem>>, vector<1x64xf32>
    %add3A_103 = vector.broadcast %get3A_102 : vector<1x64xf32> to vector<64x64xf32>
    %add3A_104 = arith.addf %dot_general3A_99, %add3A_103 : vector<64x64xf32>
    %swap3A_105 = arith.constant 0 : index
    %swap3A_106 = arith.constant 0 : index
    %swap3A_107 = vector.load %arg13[%swap3A_105, %swap3A_106] : memref<64x64xf32, #tpu.memory_space<vmem>>, vector<64x64xf32>
    tpu.vector_store %arg13[%swap3A_105, %swap3A_106], %add3A_104 {strides = array<i32>} : memref<64x64xf32, #tpu.memory_space<vmem>>, vector<64x64xf32>,
    return
  }
}

</mosaic_0001>

<sc_bundles>
// kernel: kernel.11.cloned.1.call-start
scs
__scs_entry_jumppad:
0x0: {  	(pc) =	sbr.rel $0x88, $3  }
0x1: {  	(tag) =	ssettag $0x0;
	lr =	simm.s32 $0x1  }
0x2: {  	[smem:$0x3F93] =	sst lr;
	_ =	strace $0xD0000000  }
0x3: {  	_ = 	snop  }
0x4: {  	_ = 	snop  }
0x5: {  	_ = 	snop  }
0x6: {  	_ = 	snop  }
0x7: {  	_ = 	snop  }
__scs_overlays_trampoline_lowered:
0x8: {  	[smem:$0x3FA2] =	sst s0  }
0x9: {  	[smem:$0x3FA3] =	sst s1  }
0xa: {  	[smem:$0x3FA4] =	sst s2  }
0xb: {  	[smem:$0x3FA5] =	sst s3  }
0xc: {  	[smem:$0x3FA6] =	sst s4  }
0xd: {  	[smem:$0x3FA7] =	sst s5  }
0xe: {  	[smem:$0x3FA8] =	sst s6  }
0xf: {  	[smem:$0x3FA9] =	sst s7  }
0x10: {  	[smem:$0x3FAA] =	sst s8  }
0x11: {  	[smem:$0x3FAB] =	sst s9;
	s0 =	simm.s32 @!p0 $0x0  }
0x12: {  	s1 =	sld [smem:$0x3F91];
	s0 =	simm.s32 @p0 $0x1  }
0x13: {  	[smem:$0x3FAC] =	sst s0;
	s0 =	simm.s32 @!p1 $0x0  }
0x14: {  	s2 =	sld [smem:$0x3F90];
	s0 =	simm.s32 @p1 $0x1  }
0x15: {  	[smem:$0x3FAD] =	sst s0;
	s0 =	simm.s32 @!p2 $0x0  }
0x16: {  	s3 =	sld [smem:$0x3FDB];
	s0 =	simm.s32 @p2 $0x1  }
0x17: {  	s4 =	simm.s32 $0x1BF5;
	[smem:$0x3FAF] =	sst s0  }
0x18: {  	s0 =	sld [smem:$0x3F92];
	_ =	swait.ge [sflag:s4], $0x0  }
0x19: {  	s7 =	sld [smem:$0x3F93]  }
0x1a: {  	s8 =	sadd.s32 $0xFFFFE003, lr  }
0x1b: {  	s9 =	sadd.s32 $0xFFFFFEF7, lr;
	s5 =	simm.s32 $0xFFFFFFFF;
	p2 =	slt.u32 s8, $0xFFFFF086  }
0x1c: {  	p1 =	slt.u32 s9, $0xF7A;
	s5 =	simm.s32 @!p2 $0x0  }
0x1d: {  	s5 =	simm.s32 @p1 $0x1;
	p0 =	seq.s32 s7, s2  }
0x1e: {  	s7 =	smul.u32 @!p0 $0xF7A, s2;
	p2 =	seq.s32 @!p0 s5, $0x0  }
0x1f: {  	s9 =	smul.u32 $0xF7A, s1;
	s8 =	simm.s32 @!p0 $0x1BF5;
	p2 =	por !p2, p0  }
0x20: {  	[sflag:s8] =	ssyncset.s32 @!p0 $0xFFFFF086;
	s6 =	sadd.s32 @!p0 s3, s7;
	s7 =	simm.s32 @!p0 $0x108  }
0x21: {  	s3 =	sadd.s32 s3, s9;
	s6 =	sadd.s32 @!p0 $0x88, s6;
	s7 =	simm.s32 @p2 $0x1082  }
0x22: {  	[simem:s7], [sflag:s8] =	dma.local @!p0 [hbm:s6], $0xF7A  }
0x23: {  	s9 =	sor.u32 $0xD0000000, s2;
	s6 =	simm.s32 $0x108;
	_ =	swait.ge @!p0 [sflag:s8], $0x0  }
0x24: {  	s3 =	sadd.s32 $0x88, s3;
	s6 =	simm.s32 @!p1 $0x1082;
	[sflag:s4] =	ssyncset.s32 $0xFFFFF086  }
0x25: {  	[simem:s6], [sflag:s4] =	dma.local [hbm:s3], $0xF7A  }
0x26: {  	[smem:$0x3F93] =	sst s1;
	(tag) =	ssettag s2;
	_ =	strace s9  }
0x27: {  	s1 =	sld [smem:$0x3FA3]  }
0x28: {  	s2 =	sld [smem:$0x3FA4]  }
0x29: {  	s4 =	sld [smem:$0x3FA6]  }
0x2a: {  	p0 =	seq.s32 s5, $0x0;
	s5 =	sld [smem:$0x3FA7]  }
0x2b: {  	s6 =	sld [smem:$0x3FA8]  }
0x2c: {  	s7 =	sld [smem:$0x3FA9]  }
0x2d: {  	s3 =	simm.s32 $0x108;
	s8 =	sld [smem:$0x3FAA]  }
0x2e: {  	s3 =	simm.s32 @!p0 $0x1082;
	s9 =	sld [smem:$0x3FAB]  }
0x2f: {  	lr =	sadd.s32 s0, s3;
	s0 =	sld [smem:$0x3FA2]  }
0x30: {  	s3 =	sld [smem:$0x3FA5]  }
0x31: {  	[smem:$0x3FAE] =	sst s10  }
0x32: {  	s10 =	sld [smem:$0x3FAC];
	_ =	sdelay $0x3  }
0x33: {  	p0 =	seq.s32 s10, $0x1;
	s10 =	sld [smem:$0x3FAE];
	_ =	sdelay $0x3  }
0x34: {  	[smem:$0x3FAE] =	sst s10  }
0x35: {  	s10 =	sld [smem:$0x3FAD];
	_ =	sdelay $0x3  }
0x36: {  	p1 =	seq.s32 s10, $0x1;
	s10 =	sld [smem:$0x3FAE];
	_ =	sdelay $0x3  }
0x37: {  	[smem:$0x3FAE] =	sst s10  }
0x38: {  	s10 =	sld [smem:$0x3FAF]  }
0x39: {  	_ = 	snop;
	(pc) =	sbr.ind lr, $3  }
0x3a: {  	_ = 	snop  }
0x3b: {  	_ = 	snop  }
0x3c: {  	p2 =	seq.s32 s10, $0x1;
	s10 =	sld [smem:$0x3FAE]  }
0x3d: {  	_ =	shalt  }
0x3e: {  	_ =	shalt  }
0x3f: {  	_ =	shalt  }
0x40: {  	_ =	shalt  }
0x41: {  	_ =	shalt  }
0x42: {  	_ =	shalt  }
0x43: {  	_ =	shalt  }
0x44: {  	_ =	shalt  }
0x45: {  	_ =	shalt  }
0x46: {  	_ =	shalt  }
0x47: {  	_ =	shalt  }
0x48: {  	_ =	shalt  }
0x49: {  	_ =	shalt  }
0x4a: {  	_ =	shalt  }
0x4b: {  	_ =	shalt  }
0x4c: {  	_ =	shalt  }
0x4d: {  	_ =	shalt  }
0x4e: {  	_ =	shalt  }
0x4f: {  	_ =	shalt  }
0x50: {  	_ =	shalt  }
0x51: {  	_ =	shalt  }
0x52: {  	_ =	shalt  }
0x53: {  	_ =	shalt  }
0x54: {  	_ =	shalt  }
0x55: {  	_ =	shalt  }
0x56: {  	_ =	shalt  }
0x57: {  	_ =	shalt  }
0x58: {  	_ =	shalt  }
0x59: {  	_ =	shalt  }
0x5a: {  	_ =	shalt  }
0x5b: {  	_ =	shalt  }
0x5c: {  	_ =	shalt  }
0x5d: {  	_ =	shalt  }
0x5e: {  	_ =	shalt  }
0x5f: {  	_ =	shalt  }
0x60: {  	_ =	shalt  }
0x61: {  	_ =	shalt  }
0x62: {  	_ =	shalt  }
0x63: {  	_ =	shalt  }
0x64: {  	_ =	shalt  }
0x65: {  	_ =	shalt  }
0x66: {  	_ =	shalt  }
0x67: {  	_ =	shalt  }
0x68: {  	_ =	shalt  }
0x69: {  	_ =	shalt  }
0x6a: {  	_ =	shalt  }
0x6b: {  	_ =	shalt  }
0x6c: {  	_ =	shalt  }
0x6d: {  	_ =	shalt  }
0x6e: {  	_ =	shalt  }
0x6f: {  	_ =	shalt  }
0x70: {  	_ =	shalt  }
0x71: {  	_ =	shalt  }
0x72: {  	_ =	shalt  }
0x73: {  	_ =	shalt  }
0x74: {  	_ =	shalt  }
0x75: {  	_ =	shalt  }
0x76: {  	_ =	shalt  }
0x77: {  	_ =	shalt  }
0x78: {  	_ =	shalt  }
0x79: {  	_ =	shalt  }
0x7a: {  	_ =	shalt  }
0x7b: {  	_ =	shalt  }
0x7c: {  	_ =	shalt  }
0x7d: {  	_ =	shalt  }
0x7e: {  	_ =	shalt  }
0x7f: {  	_ =	shalt  }
0x80: {  	_ =	shalt  }
0x81: {  	_ =	shalt  }
0x82: {  	_ =	shalt  }
0x83: {  	_ =	shalt  }
0x84: {  	_ =	shalt  }
0x85: {  	_ =	shalt  }
0x86: {  	_ =	shalt  }
0x87: {  	_ =	shalt  }
.Lfunc_end0:
.L_simem_size_0:
called_computation.1_lowered:
.L_overlay_start_0:
0x88: {  	s2 =	sld [smem:$0x3FD9]  }
0x89: {  	s3 =	sld [smem:$0x3FFE];
	_ =	sdelay $0x1  }
0x8a: {  	s1 =	srdreg.scid  }
0x8b: {  	s0 =	sand.u32 $0x1, s1  }
0x8c: {  	s16 =	sshll.u32 s0, $0xA;
	s2 =	sadd.s32 s3, s2  }
0x8d: {  	s2 =	sadd.s32 s2, s16  }
0x8e: {  	[smem:$0x3FBA] =	sst s2  }
0x8f: {  	_ = 	snop  }
0x90: {  	(tm) =	ssettm $0x1  }
0x91: {  	s17 =	sld [smem:$0x3FFB];
	_ =	sdelay $0x3  }
0x92: {  	_ =	strace s17  }
0x93: {  	s2 =	sld [smem:$0x3FFC];
	_ =	sdelay $0x3  }
0x94: {  	_ =	strace s2  }
0x95: {  	s2 =	sld [smem:$0x3FFD];
	_ =	sdelay $0x3  }
0x96: {  	_ =	strace s2  }
0x97: {  	_ =	strace $0x8FFFFFFF  }
0x98: {  	s18 =	sld [smem:$0x3FDB];
	_ =	sdelay $0x1  }
0x99: {  	s19 =	simm.s32 $_scs_section_size  }
0x9a: {  	s4 =	simm.s32 $_size__tile_overlayer_lowered;
	s5 =	simm.s32 $_tile_overlayer_lowered  }
0x9b: {  	s22 =	simm.s32 $0x1BFF;
	s21 =	sshll.u32 s5, $0x1;
	s2 =	sadd.s32 s19, s18  }
0x9c: {  	s6 =	simm.s32 $0x0;
	s20 =	sshll.u32 s4, $0x1;
	s4 =	sadd.s32 s21, s2  }
0x9d: {  	[timem:s6], [sflag:s22] =	dma.local [hbm:s4], s20  }
0x9e: {  	_ =	swait.ge [sflag:s22], s20  }
0x9f: {  	s3 =	ssub.s32 $0x0, s20;
	[sflag:s22] =	ssyncset.done $0x0  }
0xa0: {  	[sflag:s22] =	ssyncadd.s32 s3;
	_ =	sdelay $0x1  }
0xa1: {  	s23 =	simm.s32 $0x1B8B  }
0xa2: {  	_ =	swait.ge [sflag:s23], $0x1  }
0xa3: {  	[sflag:s23] =	ssyncset.done $0x0  }
0xa4: {  	s25 =	simm.s32 $0x1B8E;
	s24 =	sld [smem:$0x3FFE];
	[sflag:s23] =	ssyncadd.s32 $0xFFFFFFFF  }
0xa5: {  	s26 =	simm.s32 $execute0_lowered;
	[smem:$0x3FD2] =	sst s25  }
0xa6: {  	s4 =	sshll.u32 s26, $0x1;
	_ =	strace $0x80000049;
	[dreg:$0x1] =	wrdreg $0xFFFFFFFF  }
0xa7: {  	s28 =	simm.s32 $_size_execute0_lowered;
	s2 =	sadd.s32 s2, s4;
	[dreg:$0x0] =	wrdreg $0x0  }
0xa8: {  	s4 =	sshll.u32 s28, $0x1;
	[dreg:$0x2] =	wrdreg s2  }
0xa9: {  	[dreg:$0x3] =	wrdreg s4  }
0xaa: {  	[dreg:$0x4] =	wrdreg $0xC0  }
0xab: {  	_ =	task [dreg:s6], $0x5FFFF  }
0xac: {  	[dreg:$0x1] =	wrdreg $0xFFFFFFFF  }
0xad: {  	[dreg:$0x0] =	wrdreg $0x60  }
0xae: {  	[dreg:$0x2] =	wrdreg s24  }
0xaf: {  	[dreg:$0x3] =	wrdreg $0xB7800  }
0xb0: {  	[dreg:$0x4] =	wrdreg $0x9  }
0xb1: {  	_ =	task.clear_ibuf [dreg:s6], $0x5FFFF;
	_ =	strace $0x90000049  }
0xb2: {  	s29 =	simm.s32 $0x9;
	_ =	strace $0x8000004B  }
0xb3: {  	_ =	swait.ge [sflag:s29], $0x1  }
0xb4: {  	[sflag:s29] =	ssyncadd.s32 $0xFFFFFFFF  }
0xb5: {  	_ =	strace $0x9000004B  }
0xb6: {  	_ =	sfence  }
0xb7: {  	s30 =	sld [smem:$0x0];
	_ =	sdelay $0x2  }
0xb8: {  	s31 =	sshll.u32 s1, $0xD;
	s1 =	sshrl.u32 s1, $0x2  }
0xb9: {  	s3 =	sand.u32 $0x4000, s31;
	s1 =	sadd.s32 s1, s30  }
0xba: {  	s0 =	sor.u32 s3, s0;
	s1 =	sshll.u32 s1, $0x11  }
0xbb: {  	s0 =	sor.u32 s1, s0  }
0xbc: {  	s0 =	sadd.s32 $0x8F2B, s0  }
0xbd: {  	[sflag:s0] =	ssyncadd.remote.s32 $0x1  }
0xbe: {  	_ =	sfence.sel $0xFFFF  }
0xbf: {  	[dreg:$0x0] =	wrdreg $0xFFFFFFFF;
	(pc) =	sbr.abs _section_cstart, $3  }
0xc0: {  	[dreg:$0x1] =	wrdreg $0xFFFFFFFF  }
0xc1: {  	_ =	task.clear_ibuf [dreg:s6], $0x2FFFF;
	_ =	strace $0x9FFFFFFF  }
0xc2: {  	(tm) =	ssettm $0x7FFFFFFF  }
0xc3: {  	_ =	shalt  }
tec
execute0_lowered:
.L_overlay_start_1:
0x0: {  	(tag) =	ssettag $0x1  }
0x1: {  	s6 =	rddreg [dreg:$0x0]  }
0x2: {  	s0 =	srdreg.scid;
	s2 =	rddreg [dreg:$0x1]  }
0x3: {  	s14 =	simm.s32 $0x400;
	s15 =	simm.s32 $0x2780;
	s16 =	simm.s32 $0x50  }
0x4: {  	s17 =	simm.s32 $0x6780;
	s18 =	simm.s32 $0x8F80;
	s19 =	simm.s32 $0x1  }
0x5: {  	s20 =	simm.s32 $0x2;
	s21 =	simm.s32 $0x6480;
	s22 =	simm.s32 $0x26C0  }
0x6: {  	s23 =	simm.s32 $0x6500;
	s24 =	simm.s32 $0x6580;
	s5 =	sand.u32 $0x1, s0  }
0x7: {  	s25 =	simm.s32 $0x0;
	s0 =	stileid.u32;
	s26 =	smul.u32 $0x140000, s5  }
0x8: {  	s1 =	sshll.u32 s5, $0x4;
	s3 =	sshll.u32 s0, $0x7;
	s9 =	smul.u32 $0x14000, s0  }
0x9: {  	s28 =	ssub.s32 $0x2, s5;
	s11 =	smul.u32 $0x50000, s0;
	s5 =	sadd.s32 $0x45400, s6  }
0xa: {  	s31 =	sshll.u32 s0, $0x6;
	s4 =	sor.u32 s0, s1;
	s8 =	sand.u32 $0x380, s3  }
0xb: {  	s3 =	simm.s32 $0x0;
	s29 =	sshrl.u32 s28, $0x1;
	s1 =	sshrl.u32 s4, $0x3  }
0xc: {  	[smem:$0x7FF] =	sst s3;
	s4 =	sshll.u32 s4, $0xB;
	s13 =	ssub.s32 s28, s29  }
0xd: {  	s30 =	sshrl.u32 s11, $0x2;
	s7 =	smul.u32 $0x13C00, s1;
	s1 =	rddreg [dreg:$0x2]  }
0xe: {  	_ =	strace $0x8000004A;
	s10 =	sadd.s32 s4, s6;
	s4 =	sadd.s32 $0x1E200, s6  }
0xf: {  	s11 =	sadd.s32 s30, s2;
	s7 =	sor.u32 s8, s7;
	s8 =	sadd.s32 s9, s26  }
0x10: {  	s11 =	sshrl.u32 s11, $0x3;
	s7 =	sshrl.u32 s7, $0x3;
	s8 =	sshrl.u32 s8, $0x3  }
0x11: {  	s7 =	sadd.s32 s7, s6;
	s12 =	sadd.s32 s8, s6;
	s6 =	sor.u32 $0x1C03, s31  }
0x12: {  	s8 =	sadd.s32 $0x3800, s10;
	s10 =	smax.u32 s13, $0x1;
	s13 =	simm.s32 $0x80  }
0x13: {  	s7 =	sadd.s32 $0x14400, s7;
	s9 =	sadd.s32 $0x47C00, s12;
	s12 =	simm.s32 $0x3  }
.LBB2_1:
0x14: {  	[spmem:s11], [sflag:s6] =	dma.local [hbm:s5], $0x2800  }
0x15: {  	_ =	swait.ge [sflag:s12], $0x2800  }
0x16: {  	[sflag:s12] =	ssyncset.done $0x0  }
0x17: {  	[sflag:s12] =	ssyncadd.s32 $0xFFFFD800  }
0x18: {  	[tilespmem:s3], [sflag:$0x3] =	stream.strided.gather [hbm4b:s7+s13], $0x2780, s14, s13, $0x38;
	[tilespmem:$0x1F780] =	vst v63  }
0x19: {  	_ =	swait.ge [sflag:s12], $0x2780  }
0x1a: {  	[sflag:s12] =	ssyncset.done $0x0  }
0x1b: {  	[sflag:s12] =	ssyncadd.s32 $0xFFFFD880  }
0x1c: {  	[tilespmem:s15], [sflag:$0x3] =	stream.linear.gather [hbm4b:s8+s3], $0x3E80, $0x38;
	[tilespmem:$0x1F780] =	vst v63  }
0x1d: {  	_ =	swait.ge [sflag:s12], $0x3E80  }
0x1e: {  	[sflag:s12] =	ssyncset.done $0x0  }
0x1f: {  	[sflag:s12] =	ssyncadd.s32 $0xFFFFC180  }
0x20: {  	[bflag:$0x0] =	sbarrier.arrive $0xFFFF  }
0x21: {  	[tilespmem:s17], [sflag:$0x1] =	stream.indirect.gather [hbm4b:s4+s16], $0x80, s3, s16, $0xb8;
	[tilespmem:$0x1F780] =	vst v63  }
0x22: {  	_ = 	snop  }
0x23: {  	[tilespmem:s18], [sflag:$0x2] =	stream.indirect.gather [hbm4b:s4+s16], $0x80, s16, s16, $0xb8;
	[tilespmem:$0x1F780] =	vst v63  }
0x24: {  	_ =	swait.ge [sflag:s19], $0x2800  }
0x25: {  	[sflag:s19] =	ssyncset.done $0x0  }
0x26: {  	s26 =	simm.s32 $0x2780;
	[sflag:s19] =	ssyncadd.s32 $0xFFFFD800  }
0x27: {  	[spmem:s2] =	stream.indirect.scatter.add.f32 [tilespmem:s17], [sflag:$0x3], $0x80, s26, s16, $0xb8;
	[tilespmem:$0x1F780] =	vst v63  }
0x28: {  	_ =	swait.ge [sflag:s12], $0x2800  }
0x29: {  	[sflag:s12] =	ssyncset.done $0x0  }
0x2a: {  	s30 =	simm.s32 $0xA0;
	[sflag:s12] =	ssyncadd.s32 $0xFFFFD800  }
0x2b: {  	[tilespmem:s17], [sflag:$0x1] =	stream.indirect.gather [hbm4b:s4+s16], $0x80, s30, s16, $0xb8;
	[tilespmem:$0x1F780] =	vst v63  }
0x2c: {  	_ =	swait.ge [sflag:s20], $0x2800  }
0x2d: {  	[sflag:s20] =	ssyncset.done $0x0  }
0x2e: {  	s31 =	simm.s32 $0x2800;
	[sflag:s20] =	ssyncadd.s32 $0xFFFFD800  }
0x2f: {  	[spmem:s2] =	stream.indirect.scatter.add.f32 [tilespmem:s18], [sflag:$0x3], $0x80, s31, s16, $0xb8;
	[tilespmem:$0x1F780] =	vst v63  }
0x30: {  	_ =	swait.ge [sflag:s12], $0x2800  }
0x31: {  	s29 =	simm.s32 $0xF0;
	[sflag:s12] =	ssyncset.done $0x0  }
0x32: {  	s28 =	simm.s32 $0x140;
	s26 =	simm.s32 $0x400;
	[sflag:s12] =	ssyncadd.s32 $0xFFFFD800  }
.LBB2_2:
0x33: {  	[tilespmem:s18], [sflag:$0x2] =	stream.indirect.gather [hbm4b:s4+s16], $0x80, s29, s16, $0xb8;
	[tilespmem:$0x1F780] =	vst v63  }
0x34: {  	s29 =	smov.u32 s26  }
0x35: {  	p0 =	sne.s32 s26, $0xF000;
	s26 =	sadd.s32 $0x400, s26;
	_ =	swait.ge [sflag:s19], $0x2800  }
0x36: {  	s29 =	sshra.s32 s29, $0x2;
	[sflag:s19] =	ssyncset.done $0x0  }
0x37: {  	s30 =	sadd.s32 $0x2780, s29;
	[sflag:s19] =	ssyncadd.s32 $0xFFFFD800  }
0x38: {  	[spmem:s2] =	stream.indirect.scatter.add.f32 [tilespmem:s17], [sflag:$0x3], $0x80, s30, s16, $0xb8;
	[tilespmem:$0x1F780] =	vst v63  }
0x39: {  	_ =	swait.ge [sflag:s12], $0x2800  }
0x3a: {  	[sflag:s12] =	ssyncset.done $0x0  }
0x3b: {  	[sflag:s12] =	ssyncadd.s32 $0xFFFFD800  }
0x3c: {  	[tilespmem:s17], [sflag:$0x1] =	stream.indirect.gather [hbm4b:s4+s16], $0x80, s28, s16, $0xb8;
	[tilespmem:$0x1F780] =	vst v63  }
0x3d: {  	_ =	swait.ge [sflag:s20], $0x2800  }
0x3e: {  	[sflag:s20] =	ssyncset.done $0x0  }
.Ltmp0:
0x3f: {  	s29 =	sadd.s32 $0x2800, s29;
	[sflag:s20] =	ssyncadd.s32 $0xFFFFD800;
	(pc) =	sbr.rel @p0 .LBB2_2-.Ltmp0, $4  }
0x40: {  	[spmem:s2] =	stream.indirect.scatter.add.f32 [tilespmem:s18], [sflag:$0x3], $0x80, s29, s16, $0xb8;
	[tilespmem:$0x1F780] =	vst v63  }
0x41: {  	_ =	swait.ge [sflag:s12], $0x2800  }
0x42: {  	[sflag:s12] =	ssyncset.done $0x0  }
0x43: {  	s29 =	sadd.s32 $0x50, s28;
	s28 =	sadd.s32 $0xA0, s28;
	[sflag:s12] =	ssyncadd.s32 $0xFFFFD800  }
0x44: {  	[tilespmem:s18], [sflag:$0x2] =	stream.indirect.gather [hbm4b:s4+s16], $0x80, s29, s16, $0xb8;
	[tilespmem:$0x1F780] =	vst v63  }
0x45: {  	_ =	swait.ge [sflag:s19], $0x2800  }
0x46: {  	[sflag:s19] =	ssyncset.done $0x0  }
0x47: {  	[sflag:s19] =	ssyncadd.s32 $0xFFFFD800  }
0x48: {  	[spmem:s2] =	stream.indirect.scatter.add.f32 [tilespmem:s17], [sflag:$0x3], $0x80, s21, s16, $0xb8;
	[tilespmem:$0x1F780] =	vst v63  }
0x49: {  	_ =	swait.ge [sflag:s12], $0x2800  }
0x4a: {  	[sflag:s12] =	ssyncset.done $0x0  }
0x4b: {  	[sflag:s12] =	ssyncadd.s32 $0xFFFFD800  }
0x4c: {  	[tilespmem:s17], [sflag:$0x1] =	stream.indirect.gather [hbm4b:s4+s16], $0x80, s22, s16, $0xb8;
	[tilespmem:$0x1F780] =	vst v63  }
0x4d: {  	_ =	swait.ge [sflag:s20], $0x2800  }
0x4e: {  	[sflag:s20] =	ssyncset.done $0x0  }
0x4f: {  	[sflag:s20] =	ssyncadd.s32 $0xFFFFD800  }
0x50: {  	[spmem:s2] =	stream.indirect.scatter.add.f32 [tilespmem:s18], [sflag:$0x3], $0x80, s23, s16, $0xb8;
	[tilespmem:$0x1F780] =	vst v63  }
0x51: {  	_ =	swait.ge [sflag:s12], $0x2800  }
0x52: {  	[sflag:s12] =	ssyncset.done $0x0  }
0x53: {  	[sflag:s12] =	ssyncadd.s32 $0xFFFFD800  }
0x54: {  	[tilespmem:s18], [sflag:$0x2] =	stream.indirect.gather [hbm4b:s4+s16], $0x80, s22, s16, $0xb8;
	[tilespmem:$0x1F780] =	vst v63  }
0x55: {  	_ =	swait.ge [sflag:s19], $0x2800  }
0x56: {  	[sflag:s19] =	ssyncset.done $0x0  }
0x57: {  	[sflag:s19] =	ssyncadd.s32 $0xFFFFD800  }
0x58: {  	[spmem:s2] =	stream.indirect.scatter.add.f32 [tilespmem:s17], [sflag:$0x3], $0x80, s24, s16, $0xb8;
	[tilespmem:$0x1F780] =	vst v63  }
0x59: {  	_ =	swait.ge [sflag:s12], $0x2800  }
0x5a: {  	[sflag:s12] =	ssyncset.done $0x0  }
0x5b: {  	[sflag:s12] =	ssyncadd.s32 $0xFFFFD800  }
0x5c: {  	_ =	swait.ge [sflag:s20], $0x2800  }
0x5d: {  	s25 =	sadd.s32 $0x1, s25;
	[sflag:s20] =	ssyncset.done $0x0  }
0x5e: {  	p0 =	sne.s32 s25, s10;
	[sflag:s20] =	ssyncadd.s32 $0xFFFFD800  }
.Ltmp1:
0x5f: {  	[bflag:$0x0] =	sbarrier.arrive $0xFFFF;
	(pc) =	sbr.rel @p0 .LBB2_1-.Ltmp1, $4  }
0x60: {  	[hbm:s9], [sflag:s6] =	dma.local [spmem:s11], $0x2800  }
0x61: {  	_ =	swait.ge [sflag:s12], $0x2800  }
0x62: {  	[sflag:s12] =	ssyncset.done $0x0  }
0x63: {  	[sflag:s12] =	ssyncadd.s32 $0xFFFFD800  }
0x64: {  	_ =	sfence.sel $0x180000  }
0x65: {  	[bflag:$0x0] =	sbarrier.arrive $0xFFFF  }
0x66: {  	p0 =	sne.s32 s0, $0x0;
	_ =	strace $0x9000004A  }
0x67: {  	s0 =	sadd.s32 @!p0 $0x100000, s1;
	[bflag:$0x2] =	sbarrier.arrive $0xFFFF  }
0x68: {  	[sflag:s0] =	ssyncadd.tile.s32 @!p0 $0x1;
	_ =	shalt  }
.Lfunc_end2:
_tile_overlayer_lowered:
.L_overlay_start_2:
0x69: {  	(tag) =	ssettag $0x2  }
0x6a: {  	s0 =	rddreg [dreg:$0x0];
	s2 =	stileid.u32  }
0x6b: {  	s1 =	rddreg [dreg:$0x1];
	p0 =	sne.s32 s2, $0x0  }
0x6c: {  	s3 =	rddreg [dreg:$0x2];
	[bflag:$0x3] =	sbarrier.arrive $0xFFFF;
	s2 =	simm.s32 @!p0 $0x1C03  }
0x6d: {  	[timem:s3], [sflag:s2] =	dma.local @!p0 [hbm:s0], s1  }
0x6e: {  	s0 =	simm.s32 @!p0 $0x3  }
0x6f: {  	_ =	swait.ge @!p0 [sflag:s0], s1  }
0x70: {  	s1 =	ssub.s32 @!p0 $0x0, s1;
	[sflag:s0] =	ssyncset.done @!p0 $0x0  }
0x71: {  	[sflag:s0] =	ssyncadd.s32 @!p0 s1  }
0x72: {  	[bflag:$0x3] =	sbarrier.arrive $0xFFFF  }
0x73: {  	_ =	shalt  }

// kernel: kernel.14.cloned.1.call-start
scs
__scs_entry_jumppad:
0x0: {  	(pc) =	sbr.rel $0x88, $3  }
0x1: {  	(tag) =	ssettag $0x0;
	lr =	simm.s32 $0x1  }
0x2: {  	[smem:$0x3F93] =	sst lr;
	_ =	strace $0xD0000000  }
0x3: {  	_ = 	snop  }
0x4: {  	_ = 	snop  }
0x5: {  	_ = 	snop  }
0x6: {  	_ = 	snop  }
0x7: {  	_ = 	snop  }
__scs_overlays_trampoline_lowered:
0x8: {  	[smem:$0x3FA2] =	sst s0  }
0x9: {  	[smem:$0x3FA3] =	sst s1  }
0xa: {  	[smem:$0x3FA4] =	sst s2  }
0xb: {  	[smem:$0x3FA5] =	sst s3  }
0xc: {  	[smem:$0x3FA6] =	sst s4  }
0xd: {  	[smem:$0x3FA7] =	sst s5  }
0xe: {  	[smem:$0x3FA8] =	sst s6  }
0xf: {  	[smem:$0x3FA9] =	sst s7  }
0x10: {  	[smem:$0x3FAA] =	sst s8  }
0x11: {  	[smem:$0x3FAB] =	sst s9;
	s0 =	simm.s32 @!p0 $0x0  }
0x12: {  	s1 =	sld [smem:$0x3F91];
	s0 =	simm.s32 @p0 $0x1  }
0x13: {  	[smem:$0x3FAC] =	sst s0;
	s0 =	simm.s32 @!p1 $0x0  }
0x14: {  	s2 =	sld [smem:$0x3F90];
	s0 =	simm.s32 @p1 $0x1  }
0x15: {  	[smem:$0x3FAD] =	sst s0;
	s0 =	simm.s32 @!p2 $0x0  }
0x16: {  	s3 =	sld [smem:$0x3FDB];
	s0 =	simm.s32 @p2 $0x1  }
0x17: {  	s4 =	simm.s32 $0x1BF5;
	[smem:$0x3FAF] =	sst s0  }
0x18: {  	s0 =	sld [smem:$0x3F92];
	_ =	swait.ge [sflag:s4], $0x0  }
0x19: {  	s7 =	sld [smem:$0x3F93]  }
0x1a: {  	s8 =	sadd.s32 $0xFFFFE003, lr  }
0x1b: {  	s9 =	sadd.s32 $0xFFFFFEF7, lr;
	s5 =	simm.s32 $0xFFFFFFFF;
	p2 =	slt.u32 s8, $0xFFFFF086  }
0x1c: {  	p1 =	slt.u32 s9, $0xF7A;
	s5 =	simm.s32 @!p2 $0x0  }
0x1d: {  	s5 =	simm.s32 @p1 $0x1;
	p0 =	seq.s32 s7, s2  }
0x1e: {  	s7 =	smul.u32 @!p0 $0xF7A, s2;
	p2 =	seq.s32 @!p0 s5, $0x0  }
0x1f: {  	s9 =	smul.u32 $0xF7A, s1;
	s8 =	simm.s32 @!p0 $0x1BF5;
	p2 =	por !p2, p0  }
0x20: {  	[sflag:s8] =	ssyncset.s32 @!p0 $0xFFFFF086;
	s6 =	sadd.s32 @!p0 s3, s7;
	s7 =	simm.s32 @!p0 $0x108  }
0x21: {  	s3 =	sadd.s32 s3, s9;
	s6 =	sadd.s32 @!p0 $0x88, s6;
	s7 =	simm.s32 @p2 $0x1082  }
0x22: {  	[simem:s7], [sflag:s8] =	dma.local @!p0 [hbm:s6], $0xF7A  }
0x23: {  	s9 =	sor.u32 $0xD0000000, s2;
	s6 =	simm.s32 $0x108;
	_ =	swait.ge @!p0 [sflag:s8], $0x0  }
0x24: {  	s3 =	sadd.s32 $0x88, s3;
	s6 =	simm.s32 @!p1 $0x1082;
	[sflag:s4] =	ssyncset.s32 $0xFFFFF086  }
0x25: {  	[simem:s6], [sflag:s4] =	dma.local [hbm:s3], $0xF7A  }
0x26: {  	[smem:$0x3F93] =	sst s1;
	(tag) =	ssettag s2;
	_ =	strace s9  }
0x27: {  	s1 =	sld [smem:$0x3FA3]  }
0x28: {  	s2 =	sld [smem:$0x3FA4]  }
0x29: {  	s4 =	sld [smem:$0x3FA6]  }
0x2a: {  	p0 =	seq.s32 s5, $0x0;
	s5 =	sld [smem:$0x3FA7]  }
0x2b: {  	s6 =	sld [smem:$0x3FA8]  }
0x2c: {  	s7 =	sld [smem:$0x3FA9]  }
0x2d: {  	s3 =	simm.s32 $0x108;
	s8 =	sld [smem:$0x3FAA]  }
0x2e: {  	s3 =	simm.s32 @!p0 $0x1082;
	s9 =	sld [smem:$0x3FAB]  }
0x2f: {  	lr =	sadd.s32 s0, s3;
	s0 =	sld [smem:$0x3FA2]  }
0x30: {  	s3 =	sld [smem:$0x3FA5]  }
0x31: {  	[smem:$0x3FAE] =	sst s10  }
0x32: {  	s10 =	sld [smem:$0x3FAC];
	_ =	sdelay $0x3  }
0x33: {  	p0 =	seq.s32 s10, $0x1;
	s10 =	sld [smem:$0x3FAE];
	_ =	sdelay $0x3  }
0x34: {  	[smem:$0x3FAE] =	sst s10  }
0x35: {  	s10 =	sld [smem:$0x3FAD];
	_ =	sdelay $0x3  }
0x36: {  	p1 =	seq.s32 s10, $0x1;
	s10 =	sld [smem:$0x3FAE];
	_ =	sdelay $0x3  }
0x37: {  	[smem:$0x3FAE] =	sst s10  }
0x38: {  	s10 =	sld [smem:$0x3FAF]  }
0x39: {  	_ = 	snop;
	(pc) =	sbr.ind lr, $3  }
0x3a: {  	_ = 	snop  }
0x3b: {  	_ = 	snop  }
0x3c: {  	p2 =	seq.s32 s10, $0x1;
	s10 =	sld [smem:$0x3FAE]  }
0x3d: {  	_ =	shalt  }
0x3e: {  	_ =	shalt  }
0x3f: {  	_ =	shalt  }
0x40: {  	_ =	shalt  }
0x41: {  	_ =	shalt  }
0x42: {  	_ =	shalt  }
0x43: {  	_ =	shalt  }
0x44: {  	_ =	shalt  }
0x45: {  	_ =	shalt  }
0x46: {  	_ =	shalt  }
0x47: {  	_ =	shalt  }
0x48: {  	_ =	shalt  }
0x49: {  	_ =	shalt  }
0x4a: {  	_ =	shalt  }
0x4b: {  	_ =	shalt  }
0x4c: {  	_ =	shalt  }
0x4d: {  	_ =	shalt  }
0x4e: {  	_ =	shalt  }
0x4f: {  	_ =	shalt  }
0x50: {  	_ =	shalt  }
0x51: {  	_ =	shalt  }
0x52: {  	_ =	shalt  }
0x53: {  	_ =	shalt  }
0x54: {  	_ =	shalt  }
0x55: {  	_ =	shalt  }
0x56: {  	_ =	shalt  }
0x57: {  	_ =	shalt  }
0x58: {  	_ =	shalt  }
0x59: {  	_ =	shalt  }
0x5a: {  	_ =	shalt  }
0x5b: {  	_ =	shalt  }
0x5c: {  	_ =	shalt  }
0x5d: {  	_ =	shalt  }
0x5e: {  	_ =	shalt  }
0x5f: {  	_ =	shalt  }
0x60: {  	_ =	shalt  }
0x61: {  	_ =	shalt  }
0x62: {  	_ =	shalt  }
0x63: {  	_ =	shalt  }
0x64: {  	_ =	shalt  }
0x65: {  	_ =	shalt  }
0x66: {  	_ =	shalt  }
0x67: {  	_ =	shalt  }
0x68: {  	_ =	shalt  }
0x69: {  	_ =	shalt  }
0x6a: {  	_ =	shalt  }
0x6b: {  	_ =	shalt  }
0x6c: {  	_ =	shalt  }
0x6d: {  	_ =	shalt  }
0x6e: {  	_ =	shalt  }
0x6f: {  	_ =	shalt  }
0x70: {  	_ =	shalt  }
0x71: {  	_ =	shalt  }
0x72: {  	_ =	shalt  }
0x73: {  	_ =	shalt  }
0x74: {  	_ =	shalt  }
0x75: {  	_ =	shalt  }
0x76: {  	_ =	shalt  }
0x77: {  	_ =	shalt  }
0x78: {  	_ =	shalt  }
0x79: {  	_ =	shalt  }
0x7a: {  	_ =	shalt  }
0x7b: {  	_ =	shalt  }
0x7c: {  	_ =	shalt  }
0x7d: {  	_ =	shalt  }
0x7e: {  	_ =	shalt  }
0x7f: {  	_ =	shalt  }
0x80: {  	_ =	shalt  }
0x81: {  	_ =	shalt  }
0x82: {  	_ =	shalt  }
0x83: {  	_ =	shalt  }
0x84: {  	_ =	shalt  }
0x85: {  	_ =	shalt  }
0x86: {  	_ =	shalt  }
0x87: {  	_ =	shalt  }
.Lfunc_end0:
.L_simem_size_0:
called_computation.2_lowered:
.L_overlay_start_0:
0x88: {  	s2 =	sld [smem:$0x3FD9]  }
0x89: {  	s3 =	sld [smem:$0x3FFE];
	_ =	sdelay $0x1  }
0x8a: {  	s1 =	srdreg.scid  }
0x8b: {  	s0 =	sand.u32 $0x1, s1  }
0x8c: {  	s16 =	sshll.u32 s0, $0xA;
	s2 =	sadd.s32 s3, s2  }
0x8d: {  	s2 =	sadd.s32 s2, s16  }
0x8e: {  	[smem:$0x3FBA] =	sst s2  }
0x8f: {  	_ = 	snop  }
0x90: {  	(tm) =	ssettm $0x1  }
0x91: {  	s17 =	sld [smem:$0x3FFB];
	_ =	sdelay $0x3  }
0x92: {  	_ =	strace s17  }
0x93: {  	s2 =	sld [smem:$0x3FFC];
	_ =	sdelay $0x3  }
0x94: {  	_ =	strace s2  }
0x95: {  	s2 =	sld [smem:$0x3FFD];
	_ =	sdelay $0x3  }
0x96: {  	_ =	strace s2  }
0x97: {  	_ =	strace $0x8FFFFFFF  }
0x98: {  	s18 =	sld [smem:$0x3FDB];
	_ =	sdelay $0x1  }
0x99: {  	s19 =	simm.s32 $_scs_section_size  }
0x9a: {  	s4 =	simm.s32 $_size__tile_overlayer_lowered;
	s5 =	simm.s32 $_tile_overlayer_lowered  }
0x9b: {  	s22 =	simm.s32 $0x1BFF;
	s21 =	sshll.u32 s5, $0x1;
	s2 =	sadd.s32 s19, s18  }
0x9c: {  	s6 =	simm.s32 $0x0;
	s20 =	sshll.u32 s4, $0x1;
	s4 =	sadd.s32 s21, s2  }
0x9d: {  	[timem:s6], [sflag:s22] =	dma.local [hbm:s4], s20  }
0x9e: {  	_ =	swait.ge [sflag:s22], s20  }
0x9f: {  	s3 =	ssub.s32 $0x0, s20;
	[sflag:s22] =	ssyncset.done $0x0  }
0xa0: {  	[sflag:s22] =	ssyncadd.s32 s3;
	_ =	sdelay $0x1  }
0xa1: {  	s23 =	simm.s32 $0x1B8B  }
0xa2: {  	_ =	swait.ge [sflag:s23], $0x1  }
0xa3: {  	[sflag:s23] =	ssyncset.done $0x0  }
0xa4: {  	s25 =	simm.s32 $0x1B8E;
	s24 =	sld [smem:$0x3FFE];
	[sflag:s23] =	ssyncadd.s32 $0xFFFFFFFF  }
0xa5: {  	s26 =	simm.s32 $execute0_lowered;
	[smem:$0x3FD2] =	sst s25  }
0xa6: {  	s4 =	sshll.u32 s26, $0x1;
	_ =	strace $0x8000004C;
	[dreg:$0x1] =	wrdreg $0xFFFFFFFF  }
0xa7: {  	s28 =	simm.s32 $_size_execute0_lowered;
	s2 =	sadd.s32 s2, s4;
	[dreg:$0x0] =	wrdreg $0x0  }
0xa8: {  	s4 =	sshll.u32 s28, $0x1;
	[dreg:$0x2] =	wrdreg s2  }
0xa9: {  	[dreg:$0x3] =	wrdreg s4  }
0xaa: {  	[dreg:$0x4] =	wrdreg $0xC0  }
0xab: {  	_ =	task [dreg:s6], $0x5FFFF  }
0xac: {  	[dreg:$0x1] =	wrdreg $0xFFFFFFFF  }
0xad: {  	[dreg:$0x0] =	wrdreg $0x60  }
0xae: {  	[dreg:$0x2] =	wrdreg s24  }
0xaf: {  	[dreg:$0x3] =	wrdreg $0xB7800  }
0xb0: {  	[dreg:$0x4] =	wrdreg $0x9  }
0xb1: {  	_ =	task.clear_ibuf [dreg:s6], $0x5FFFF;
	_ =	strace $0x9000004C  }
0xb2: {  	s29 =	simm.s32 $0x9;
	_ =	strace $0x8000004E  }
0xb3: {  	_ =	swait.ge [sflag:s29], $0x1  }
0xb4: {  	[sflag:s29] =	ssyncadd.s32 $0xFFFFFFFF  }
0xb5: {  	_ =	strace $0x9000004E  }
0xb6: {  	_ =	sfence  }
0xb7: {  	s30 =	sld [smem:$0x0];
	_ =	sdelay $0x2  }
0xb8: {  	s31 =	sshll.u32 s1, $0xD;
	s1 =	sshrl.u32 s1, $0x2  }
0xb9: {  	s3 =	sand.u32 $0x4000, s31;
	s1 =	sadd.s32 s1, s30  }
0xba: {  	s0 =	sor.u32 s3, s0;
	s1 =	sshll.u32 s1, $0x11  }
0xbb: {  	s0 =	sor.u32 s1, s0  }
0xbc: {  	s0 =	sadd.s32 $0x8F2B, s0  }
0xbd: {  	[sflag:s0] =	ssyncadd.remote.s32 $0x1  }
0xbe: {  	_ =	sfence.sel $0xFFFF  }
0xbf: {  	[dreg:$0x0] =	wrdreg $0xFFFFFFFF;
	(pc) =	sbr.abs _section_cstart, $3  }
0xc0: {  	[dreg:$0x1] =	wrdreg $0xFFFFFFFF  }
0xc1: {  	_ =	task.clear_ibuf [dreg:s6], $0x2FFFF;
	_ =	strace $0x9FFFFFFF  }
0xc2: {  	(tm) =	ssettm $0x7FFFFFFF  }
0xc3: {  	_ =	shalt  }
tec
execute0_lowered:
.L_overlay_start_1:
0x0: {  	(tag) =	ssettag $0x1  }
0x1: {  	s6 =	rddreg [dreg:$0x0]  }
0x2: {  	s0 =	srdreg.scid;
	s2 =	rddreg [dreg:$0x1]  }
0x3: {  	s14 =	simm.s32 $0x400;
	s15 =	simm.s32 $0x2780;
	s16 =	simm.s32 $0x50  }
0x4: {  	s17 =	simm.s32 $0x6780;
	s18 =	simm.s32 $0x8F80;
	s19 =	simm.s32 $0x1  }
0x5: {  	s20 =	simm.s32 $0x2;
	s21 =	simm.s32 $0x6480;
	s22 =	simm.s32 $0x26C0  }
0x6: {  	s23 =	simm.s32 $0x6500;
	s24 =	simm.s32 $0x6580;
	s5 =	sand.u32 $0x1, s0  }
0x7: {  	s25 =	simm.s32 $0x0;
	s0 =	stileid.u32;
	s26 =	smul.u32 $0x140000, s5  }
0x8: {  	s1 =	sshll.u32 s5, $0x4;
	s3 =	sshll.u32 s0, $0x7;
	s9 =	smul.u32 $0x14000, s0  }
0x9: {  	s28 =	ssub.s32 $0x2, s5;
	s11 =	smul.u32 $0x50000, s0;
	s5 =	sadd.s32 $0x45400, s6  }
0xa: {  	s31 =	sshll.u32 s0, $0x6;
	s4 =	sor.u32 s0, s1;
	s8 =	sand.u32 $0x380, s3  }
0xb: {  	s3 =	simm.s32 $0x0;
	s29 =	sshrl.u32 s28, $0x1;
	s1 =	sshrl.u32 s4, $0x3  }
0xc: {  	[smem:$0x7FF] =	sst s3;
	s4 =	sshll.u32 s4, $0xB;
	s13 =	ssub.s32 s28, s29  }
0xd: {  	s30 =	sshrl.u32 s11, $0x2;
	s7 =	smul.u32 $0x13C00, s1;
	s1 =	rddreg [dreg:$0x2]  }
0xe: {  	_ =	strace $0x8000004D;
	s10 =	sadd.s32 s4, s6;
	s4 =	sadd.s32 $0x1E200, s6  }
0xf: {  	s11 =	sadd.s32 s30, s2;
	s7 =	sor.u32 s8, s7;
	s8 =	sadd.s32 s9, s26  }
0x10: {  	s11 =	sshrl.u32 s11, $0x3;
	s7 =	sshrl.u32 s7, $0x3;
	s8 =	sshrl.u32 s8, $0x3  }
0x11: {  	s7 =	sadd.s32 s7, s6;
	s12 =	sadd.s32 s8, s6;
	s6 =	sor.u32 $0x1C03, s31  }
0x12: {  	s8 =	sadd.s32 $0x3800, s10;
	s10 =	smax.u32 s13, $0x1;
	s13 =	simm.s32 $0x80  }
0x13: {  	s7 =	sadd.s32 $0x14400, s7;
	s9 =	sadd.s32 $0x47C00, s12;
	s12 =	simm.s32 $0x3  }
.LBB2_1:
0x14: {  	[spmem:s11], [sflag:s6] =	dma.local [hbm:s5], $0x2800  }
0x15: {  	_ =	swait.ge [sflag:s12], $0x2800  }
0x16: {  	[sflag:s12] =	ssyncset.done $0x0  }
0x17: {  	[sflag:s12] =	ssyncadd.s32 $0xFFFFD800  }
0x18: {  	[tilespmem:s3], [sflag:$0x3] =	stream.strided.gather [hbm4b:s7+s13], $0x2780, s14, s13, $0x38;
	[tilespmem:$0x1F780] =	vst v63  }
0x19: {  	_ =	swait.ge [sflag:s12], $0x2780  }
0x1a: {  	[sflag:s12] =	ssyncset.done $0x0  }
0x1b: {  	[sflag:s12] =	ssyncadd.s32 $0xFFFFD880  }
0x1c: {  	[tilespmem:s15], [sflag:$0x3] =	stream.linear.gather [hbm4b:s8+s3], $0x3E80, $0x38;
	[tilespmem:$0x1F780] =	vst v63  }
0x1d: {  	_ =	swait.ge [sflag:s12], $0x3E80  }
0x1e: {  	[sflag:s12] =	ssyncset.done $0x0  }
0x1f: {  	[sflag:s12] =	ssyncadd.s32 $0xFFFFC180  }
0x20: {  	[bflag:$0x0] =	sbarrier.arrive $0xFFFF  }
0x21: {  	[tilespmem:s17], [sflag:$0x1] =	stream.indirect.gather [hbm4b:s4+s16], $0x80, s3, s16, $0xb8;
	[tilespmem:$0x1F780] =	vst v63  }
0x22: {  	_ = 	snop  }
0x23: {  	[tilespmem:s18], [sflag:$0x2] =	stream.indirect.gather [hbm4b:s4+s16], $0x80, s16, s16, $0xb8;
	[tilespmem:$0x1F780] =	vst v63  }
0x24: {  	_ =	swait.ge [sflag:s19], $0x2800  }
0x25: {  	[sflag:s19] =	ssyncset.done $0x0  }
0x26: {  	s26 =	simm.s32 $0x2780;
	[sflag:s19] =	ssyncadd.s32 $0xFFFFD800  }
0x27: {  	[spmem:s2] =	stream.indirect.scatter.add.f32 [tilespmem:s17], [sflag:$0x3], $0x80, s26, s16, $0xb8;
	[tilespmem:$0x1F780] =	vst v63  }
0x28: {  	_ =	swait.ge [sflag:s12], $0x2800  }
0x29: {  	[sflag:s12] =	ssyncset.done $0x0  }
0x2a: {  	s30 =	simm.s32 $0xA0;
	[sflag:s12] =	ssyncadd.s32 $0xFFFFD800  }
0x2b: {  	[tilespmem:s17], [sflag:$0x1] =	stream.indirect.gather [hbm4b:s4+s16], $0x80, s30, s16, $0xb8;
	[tilespmem:$0x1F780] =	vst v63  }
0x2c: {  	_ =	swait.ge [sflag:s20], $0x2800  }
0x2d: {  	[sflag:s20] =	ssyncset.done $0x0  }
0x2e: {  	s31 =	simm.s32 $0x2800;
	[sflag:s20] =	ssyncadd.s32 $0xFFFFD800  }
0x2f: {  	[spmem:s2] =	stream.indirect.scatter.add.f32 [tilespmem:s18], [sflag:$0x3], $0x80, s31, s16, $0xb8;
	[tilespmem:$0x1F780] =	vst v63  }
0x30: {  	_ =	swait.ge [sflag:s12], $0x2800  }
0x31: {  	s29 =	simm.s32 $0xF0;
	[sflag:s12] =	ssyncset.done $0x0  }
0x32: {  	s28 =	simm.s32 $0x140;
	s26 =	simm.s32 $0x400;
	[sflag:s12] =	ssyncadd.s32 $0xFFFFD800  }
.LBB2_2:
0x33: {  	[tilespmem:s18], [sflag:$0x2] =	stream.indirect.gather [hbm4b:s4+s16], $0x80, s29, s16, $0xb8;
	[tilespmem:$0x1F780] =	vst v63  }
0x34: {  	s29 =	smov.u32 s26  }
0x35: {  	p0 =	sne.s32 s26, $0xF000;
	s26 =	sadd.s32 $0x400, s26;
	_ =	swait.ge [sflag:s19], $0x2800  }
0x36: {  	s29 =	sshra.s32 s29, $0x2;
	[sflag:s19] =	ssyncset.done $0x0  }
0x37: {  	s30 =	sadd.s32 $0x2780, s29;
	[sflag:s19] =	ssyncadd.s32 $0xFFFFD800  }
0x38: {  	[spmem:s2] =	stream.indirect.scatter.add.f32 [tilespmem:s17], [sflag:$0x3], $0x80, s30, s16, $0xb8;
	[tilespmem:$0x1F780] =	vst v63  }
0x39: {  	_ =	swait.ge [sflag:s12], $0x2800  }
0x3a: {  	[sflag:s12] =	ssyncset.done $0x0  }
0x3b: {  	[sflag:s12] =	ssyncadd.s32 $0xFFFFD800  }
0x3c: {  	[tilespmem:s17], [sflag:$0x1] =	stream.indirect.gather [hbm4b:s4+s16], $0x80, s28, s16, $0xb8;
	[tilespmem:$0x1F780] =	vst v63  }
0x3d: {  	_ =	swait.ge [sflag:s20], $0x2800  }
0x3e: {  	[sflag:s20] =	ssyncset.done $0x0  }
.Ltmp0:
0x3f: {  	s29 =	sadd.s32 $0x2800, s29;
	[sflag:s20] =	ssyncadd.s32 $0xFFFFD800;
	(pc) =	sbr.rel @p0 .LBB2_2-.Ltmp0, $4  }
0x40: {  	[spmem:s2] =	stream.indirect.scatter.add.f32 [tilespmem:s18], [sflag:$0x3], $0x80, s29, s16, $0xb8;
	[tilespmem:$0x1F780] =	vst v63  }
0x41: {  	_ =	swait.ge [sflag:s12], $0x2800  }
0x42: {  	[sflag:s12] =	ssyncset.done $0x0  }
0x43: {  	s29 =	sadd.s32 $0x50, s28;
	s28 =	sadd.s32 $0xA0, s28;
	[sflag:s12] =	ssyncadd.s32 $0xFFFFD800  }
0x44: {  	[tilespmem:s18], [sflag:$0x2] =	stream.indirect.gather [hbm4b:s4+s16], $0x80, s29, s16, $0xb8;
	[tilespmem:$0x1F780] =	vst v63  }
0x45: {  	_ =	swait.ge [sflag:s19], $0x2800  }
0x46: {  	[sflag:s19] =	ssyncset.done $0x0  }
0x47: {  	[sflag:s19] =	ssyncadd.s32 $0xFFFFD800  }
0x48: {  	[spmem:s2] =	stream.indirect.scatter.add.f32 [tilespmem:s17], [sflag:$0x3], $0x80, s21, s16, $0xb8;
	[tilespmem:$0x1F780] =	vst v63  }
0x49: {  	_ =	swait.ge [sflag:s12], $0x2800  }
0x4a: {  	[sflag:s12] =	ssyncset.done $0x0  }
0x4b: {  	[sflag:s12] =	ssyncadd.s32 $0xFFFFD800  }
0x4c: {  	[tilespmem:s17], [sflag:$0x1] =	stream.indirect.gather [hbm4b:s4+s16], $0x80, s22, s16, $0xb8;
	[tilespmem:$0x1F780] =	vst v63  }
0x4d: {  	_ =	swait.ge [sflag:s20], $0x2800  }
0x4e: {  	[sflag:s20] =	ssyncset.done $0x0  }
0x4f: {  	[sflag:s20] =	ssyncadd.s32 $0xFFFFD800  }
0x50: {  	[spmem:s2] =	stream.indirect.scatter.add.f32 [tilespmem:s18], [sflag:$0x3], $0x80, s23, s16, $0xb8;
	[tilespmem:$0x1F780] =	vst v63  }
0x51: {  	_ =	swait.ge [sflag:s12], $0x2800  }
0x52: {  	[sflag:s12] =	ssyncset.done $0x0  }
0x53: {  	[sflag:s12] =	ssyncadd.s32 $0xFFFFD800  }
0x54: {  	[tilespmem:s18], [sflag:$0x2] =	stream.indirect.gather [hbm4b:s4+s16], $0x80, s22, s16, $0xb8;
	[tilespmem:$0x1F780] =	vst v63  }
0x55: {  	_ =	swait.ge [sflag:s19], $0x2800  }
0x56: {  	[sflag:s19] =	ssyncset.done $0x0  }
0x57: {  	[sflag:s19] =	ssyncadd.s32 $0xFFFFD800  }
0x58: {  	[spmem:s2] =	stream.indirect.scatter.add.f32 [tilespmem:s17], [sflag:$0x3], $0x80, s24, s16, $0xb8;
	[tilespmem:$0x1F780] =	vst v63  }
0x59: {  	_ =	swait.ge [sflag:s12], $0x2800  }
0x5a: {  	[sflag:s12] =	ssyncset.done $0x0  }
0x5b: {  	[sflag:s12] =	ssyncadd.s32 $0xFFFFD800  }
0x5c: {  	_ =	swait.ge [sflag:s20], $0x2800  }
0x5d: {  	s25 =	sadd.s32 $0x1, s25;
	[sflag:s20] =	ssyncset.done $0x0  }
0x5e: {  	p0 =	sne.s32 s25, s10;
	[sflag:s20] =	ssyncadd.s32 $0xFFFFD800  }
.Ltmp1:
0x5f: {  	[bflag:$0x0] =	sbarrier.arrive $0xFFFF;
	(pc) =	sbr.rel @p0 .LBB2_1-.Ltmp1, $4  }
0x60: {  	[hbm:s9], [sflag:s6] =	dma.local [spmem:s11], $0x2800  }
0x61: {  	_ =	swait.ge [sflag:s12], $0x2800  }
0x62: {  	[sflag:s12] =	ssyncset.done $0x0  }
0x63: {  	[sflag:s12] =	ssyncadd.s32 $0xFFFFD800  }
0x64: {  	_ =	sfence.sel $0x180000  }
0x65: {  	[bflag:$0x0] =	sbarrier.arrive $0xFFFF  }
0x66: {  	p0 =	sne.s32 s0, $0x0;
	_ =	strace $0x9000004D  }
0x67: {  	s0 =	sadd.s32 @!p0 $0x100000, s1;
	[bflag:$0x2] =	sbarrier.arrive $0xFFFF  }
0x68: {  	[sflag:s0] =	ssyncadd.tile.s32 @!p0 $0x1;
	_ =	shalt  }
.Lfunc_end2:
_tile_overlayer_lowered:
.L_overlay_start_2:
0x69: {  	(tag) =	ssettag $0x2  }
0x6a: {  	s0 =	rddreg [dreg:$0x0];
	s2 =	stileid.u32  }
0x6b: {  	s1 =	rddreg [dreg:$0x1];
	p0 =	sne.s32 s2, $0x0  }
0x6c: {  	s3 =	rddreg [dreg:$0x2];
	[bflag:$0x3] =	sbarrier.arrive $0xFFFF;
	s2 =	simm.s32 @!p0 $0x1C03  }
0x6d: {  	[timem:s3], [sflag:s2] =	dma.local @!p0 [hbm:s0], s1  }
0x6e: {  	s0 =	simm.s32 @!p0 $0x3  }
0x6f: {  	_ =	swait.ge @!p0 [sflag:s0], s1  }
0x70: {  	s1 =	ssub.s32 @!p0 $0x0, s1;
	[sflag:s0] =	ssyncset.done @!p0 $0x0  }
0x71: {  	[sflag:s0] =	ssyncadd.s32 @!p0 s1  }
0x72: {  	[bflag:$0x3] =	sbarrier.arrive $0xFFFF  }
0x73: {  	_ =	shalt  }

// kernel: kernel.8.cloned.1.call-start
scs
__scs_entry_jumppad:
0x0: {  	(pc) =	sbr.rel $0x88, $3  }
0x1: {  	(tag) =	ssettag $0x0;
	lr =	simm.s32 $0x1  }
0x2: {  	[smem:$0x3F93] =	sst lr;
	_ =	strace $0xD0000000  }
0x3: {  	_ = 	snop  }
0x4: {  	_ = 	snop  }
0x5: {  	_ = 	snop  }
0x6: {  	_ = 	snop  }
0x7: {  	_ = 	snop  }
__scs_overlays_trampoline_lowered:
0x8: {  	[smem:$0x3FA2] =	sst s0  }
0x9: {  	[smem:$0x3FA3] =	sst s1  }
0xa: {  	[smem:$0x3FA4] =	sst s2  }
0xb: {  	[smem:$0x3FA5] =	sst s3  }
0xc: {  	[smem:$0x3FA6] =	sst s4  }
0xd: {  	[smem:$0x3FA7] =	sst s5  }
0xe: {  	[smem:$0x3FA8] =	sst s6  }
0xf: {  	[smem:$0x3FA9] =	sst s7  }
0x10: {  	[smem:$0x3FAA] =	sst s8  }
0x11: {  	[smem:$0x3FAB] =	sst s9;
	s0 =	simm.s32 @!p0 $0x0  }
0x12: {  	s1 =	sld [smem:$0x3F91];
	s0 =	simm.s32 @p0 $0x1  }
0x13: {  	[smem:$0x3FAC] =	sst s0;
	s0 =	simm.s32 @!p1 $0x0  }
0x14: {  	s2 =	sld [smem:$0x3F90];
	s0 =	simm.s32 @p1 $0x1  }
0x15: {  	[smem:$0x3FAD] =	sst s0;
	s0 =	simm.s32 @!p2 $0x0  }
0x16: {  	s3 =	sld [smem:$0x3FDB];
	s0 =	simm.s32 @p2 $0x1  }
0x17: {  	s4 =	simm.s32 $0x1BF5;
	[smem:$0x3FAF] =	sst s0  }
0x18: {  	s0 =	sld [smem:$0x3F92];
	_ =	swait.ge [sflag:s4], $0x0  }
0x19: {  	s7 =	sld [smem:$0x3F93]  }
0x1a: {  	s8 =	sadd.s32 $0xFFFFE003, lr  }
0x1b: {  	s9 =	sadd.s32 $0xFFFFFEF7, lr;
	s5 =	simm.s32 $0xFFFFFFFF;
	p2 =	slt.u32 s8, $0xFFFFF086  }
0x1c: {  	p1 =	slt.u32 s9, $0xF7A;
	s5 =	simm.s32 @!p2 $0x0  }
0x1d: {  	s5 =	simm.s32 @p1 $0x1;
	p0 =	seq.s32 s7, s2  }
0x1e: {  	s7 =	smul.u32 @!p0 $0xF7A, s2;
	p2 =	seq.s32 @!p0 s5, $0x0  }
0x1f: {  	s9 =	smul.u32 $0xF7A, s1;
	s8 =	simm.s32 @!p0 $0x1BF5;
	p2 =	por !p2, p0  }
0x20: {  	[sflag:s8] =	ssyncset.s32 @!p0 $0xFFFFF086;
	s6 =	sadd.s32 @!p0 s3, s7;
	s7 =	simm.s32 @!p0 $0x108  }
0x21: {  	s3 =	sadd.s32 s3, s9;
	s6 =	sadd.s32 @!p0 $0x88, s6;
	s7 =	simm.s32 @p2 $0x1082  }
0x22: {  	[simem:s7], [sflag:s8] =	dma.local @!p0 [hbm:s6], $0xF7A  }
0x23: {  	s9 =	sor.u32 $0xD0000000, s2;
	s6 =	simm.s32 $0x108;
	_ =	swait.ge @!p0 [sflag:s8], $0x0  }
0x24: {  	s3 =	sadd.s32 $0x88, s3;
	s6 =	simm.s32 @!p1 $0x1082;
	[sflag:s4] =	ssyncset.s32 $0xFFFFF086  }
0x25: {  	[simem:s6], [sflag:s4] =	dma.local [hbm:s3], $0xF7A  }
0x26: {  	[smem:$0x3F93] =	sst s1;
	(tag) =	ssettag s2;
	_ =	strace s9  }
0x27: {  	s1 =	sld [smem:$0x3FA3]  }
0x28: {  	s2 =	sld [smem:$0x3FA4]  }
0x29: {  	s4 =	sld [smem:$0x3FA6]  }
0x2a: {  	p0 =	seq.s32 s5, $0x0;
	s5 =	sld [smem:$0x3FA7]  }
0x2b: {  	s6 =	sld [smem:$0x3FA8]  }
0x2c: {  	s7 =	sld [smem:$0x3FA9]  }
0x2d: {  	s3 =	simm.s32 $0x108;
	s8 =	sld [smem:$0x3FAA]  }
0x2e: {  	s3 =	simm.s32 @!p0 $0x1082;
	s9 =	sld [smem:$0x3FAB]  }
0x2f: {  	lr =	sadd.s32 s0, s3;
	s0 =	sld [smem:$0x3FA2]  }
0x30: {  	s3 =	sld [smem:$0x3FA5]  }
0x31: {  	[smem:$0x3FAE] =	sst s10  }
0x32: {  	s10 =	sld [smem:$0x3FAC];
	_ =	sdelay $0x3  }
0x33: {  	p0 =	seq.s32 s10, $0x1;
	s10 =	sld [smem:$0x3FAE];
	_ =	sdelay $0x3  }
0x34: {  	[smem:$0x3FAE] =	sst s10  }
0x35: {  	s10 =	sld [smem:$0x3FAD];
	_ =	sdelay $0x3  }
0x36: {  	p1 =	seq.s32 s10, $0x1;
	s10 =	sld [smem:$0x3FAE];
	_ =	sdelay $0x3  }
0x37: {  	[smem:$0x3FAE] =	sst s10  }
0x38: {  	s10 =	sld [smem:$0x3FAF]  }
0x39: {  	_ = 	snop;
	(pc) =	sbr.ind lr, $3  }
0x3a: {  	_ = 	snop  }
0x3b: {  	_ = 	snop  }
0x3c: {  	p2 =	seq.s32 s10, $0x1;
	s10 =	sld [smem:$0x3FAE]  }
0x3d: {  	_ =	shalt  }
0x3e: {  	_ =	shalt  }
0x3f: {  	_ =	shalt  }
0x40: {  	_ =	shalt  }
0x41: {  	_ =	shalt  }
0x42: {  	_ =	shalt  }
0x43: {  	_ =	shalt  }
0x44: {  	_ =	shalt  }
0x45: {  	_ =	shalt  }
0x46: {  	_ =	shalt  }
0x47: {  	_ =	shalt  }
0x48: {  	_ =	shalt  }
0x49: {  	_ =	shalt  }
0x4a: {  	_ =	shalt  }
0x4b: {  	_ =	shalt  }
0x4c: {  	_ =	shalt  }
0x4d: {  	_ =	shalt  }
0x4e: {  	_ =	shalt  }
0x4f: {  	_ =	shalt  }
0x50: {  	_ =	shalt  }
0x51: {  	_ =	shalt  }
0x52: {  	_ =	shalt  }
0x53: {  	_ =	shalt  }
0x54: {  	_ =	shalt  }
0x55: {  	_ =	shalt  }
0x56: {  	_ =	shalt  }
0x57: {  	_ =	shalt  }
0x58: {  	_ =	shalt  }
0x59: {  	_ =	shalt  }
0x5a: {  	_ =	shalt  }
0x5b: {  	_ =	shalt  }
0x5c: {  	_ =	shalt  }
0x5d: {  	_ =	shalt  }
0x5e: {  	_ =	shalt  }
0x5f: {  	_ =	shalt  }
0x60: {  	_ =	shalt  }
0x61: {  	_ =	shalt  }
0x62: {  	_ =	shalt  }
0x63: {  	_ =	shalt  }
0x64: {  	_ =	shalt  }
0x65: {  	_ =	shalt  }
0x66: {  	_ =	shalt  }
0x67: {  	_ =	shalt  }
0x68: {  	_ =	shalt  }
0x69: {  	_ =	shalt  }
0x6a: {  	_ =	shalt  }
0x6b: {  	_ =	shalt  }
0x6c: {  	_ =	shalt  }
0x6d: {  	_ =	shalt  }
0x6e: {  	_ =	shalt  }
0x6f: {  	_ =	shalt  }
0x70: {  	_ =	shalt  }
0x71: {  	_ =	shalt  }
0x72: {  	_ =	shalt  }
0x73: {  	_ =	shalt  }
0x74: {  	_ =	shalt  }
0x75: {  	_ =	shalt  }
0x76: {  	_ =	shalt  }
0x77: {  	_ =	shalt  }
0x78: {  	_ =	shalt  }
0x79: {  	_ =	shalt  }
0x7a: {  	_ =	shalt  }
0x7b: {  	_ =	shalt  }
0x7c: {  	_ =	shalt  }
0x7d: {  	_ =	shalt  }
0x7e: {  	_ =	shalt  }
0x7f: {  	_ =	shalt  }
0x80: {  	_ =	shalt  }
0x81: {  	_ =	shalt  }
0x82: {  	_ =	shalt  }
0x83: {  	_ =	shalt  }
0x84: {  	_ =	shalt  }
0x85: {  	_ =	shalt  }
0x86: {  	_ =	shalt  }
0x87: {  	_ =	shalt  }
.Lfunc_end0:
.L_simem_size_0:
called_computation_lowered:
.L_overlay_start_0:
0x88: {  	s2 =	sld [smem:$0x3FD9]  }
0x89: {  	s3 =	sld [smem:$0x3FFE];
	_ =	sdelay $0x1  }
0x8a: {  	s1 =	srdreg.scid  }
0x8b: {  	s0 =	sand.u32 $0x1, s1  }
0x8c: {  	s17 =	sshll.u32 s0, $0xA;
	s2 =	sadd.s32 s3, s2  }
0x8d: {  	s2 =	sadd.s32 s2, s17  }
0x8e: {  	[smem:$0x3FBA] =	sst s2  }
0x8f: {  	_ = 	snop  }
0x90: {  	s2 =	sld [smem:$0x3FD0];
	(tm) =	ssettm $0x1  }
0x91: {  	s18 =	sld [smem:$0x3FFB];
	_ =	sdelay $0x3  }
0x92: {  	_ =	strace s18  }
0x93: {  	s3 =	sld [smem:$0x3FFC];
	_ =	sdelay $0x3  }
0x94: {  	_ =	strace s3  }
0x95: {  	s3 =	sld [smem:$0x3FFD];
	_ =	sdelay $0x3  }
0x96: {  	_ =	strace s3  }
0x97: {  	_ =	strace $0x8FFFFFFF  }
0x98: {  	s19 =	sld [smem:$0x3FDB];
	_ =	sdelay $0x1  }
0x99: {  	s4 =	simm.s32 $_scs_section_size  }
0x9a: {  	s5 =	simm.s32 $_size__tile_overlayer_lowered;
	s6 =	simm.s32 $_tile_overlayer_lowered  }
0x9b: {  	s22 =	simm.s32 $0x1BFF;
	s21 =	sshll.u32 s6, $0x1;
	s3 =	sadd.s32 s4, s19  }
0x9c: {  	s7 =	simm.s32 $0x0;
	s20 =	sshll.u32 s5, $0x1;
	s5 =	sadd.s32 s21, s3  }
0x9d: {  	[timem:s7], [sflag:s22] =	dma.local [hbm:s5], s20  }
0x9e: {  	_ =	swait.ge [sflag:s22], s20  }
0x9f: {  	s4 =	ssub.s32 $0x0, s20;
	[sflag:s22] =	ssyncset.done $0x0  }
0xa0: {  	[sflag:s22] =	ssyncadd.s32 s4;
	_ =	sdelay $0x1  }
0xa1: {  	s23 =	simm.s32 $0x1B8B  }
0xa2: {  	_ =	swait.ge [sflag:s23], $0x1  }
0xa3: {  	[sflag:s23] =	ssyncset.done $0x0  }
0xa4: {  	s25 =	simm.s32 $0x1B8E;
	s24 =	sld [smem:$0x3FFE];
	[sflag:s23] =	ssyncadd.s32 $0xFFFFFFFF  }
0xa5: {  	s26 =	simm.s32 $execute0_lowered;
	[smem:$0x3FD2] =	sst s25  }
0xa6: {  	s5 =	sshll.u32 s26, $0x1;
	_ =	strace $0x80000046;
	[dreg:$0x1] =	wrdreg $0xFFFFFFFF  }
0xa7: {  	s28 =	simm.s32 $_size_execute0_lowered;
	s3 =	sadd.s32 s3, s5;
	[dreg:$0x0] =	wrdreg $0x0  }
0xa8: {  	s5 =	sshll.u32 s28, $0x1;
	[dreg:$0x2] =	wrdreg s3  }
0xa9: {  	[dreg:$0x3] =	wrdreg s5  }
0xaa: {  	[dreg:$0x4] =	wrdreg $0xC0  }
0xab: {  	_ =	task [dreg:s7], $0x5FFFF  }
0xac: {  	[dreg:$0x1] =	wrdreg $0xFFFFFFFF  }
0xad: {  	[dreg:$0x0] =	wrdreg $0x60  }
0xae: {  	[dreg:$0x2] =	wrdreg s24  }
0xaf: {  	[dreg:$0x3] =	wrdreg s2  }
0xb0: {  	[dreg:$0x4] =	wrdreg $0x40800  }
0xb1: {  	[dreg:$0x5] =	wrdreg $0x9  }
0xb2: {  	_ =	task.clear_ibuf [dreg:s7], $0x6FFFF;
	_ =	strace $0x90000046  }
0xb3: {  	s29 =	simm.s32 $0x9;
	_ =	strace $0x80000048  }
0xb4: {  	_ =	swait.ge [sflag:s29], $0x1  }
0xb5: {  	[sflag:s29] =	ssyncadd.s32 $0xFFFFFFFF  }
0xb6: {  	_ =	strace $0x90000048  }
0xb7: {  	_ =	sfence  }
0xb8: {  	s30 =	sld [smem:$0x0];
	_ =	sdelay $0x2  }
0xb9: {  	s31 =	sshll.u32 s1, $0xD;
	s1 =	sshrl.u32 s1, $0x2  }
0xba: {  	s3 =	sand.u32 $0x4000, s31;
	s1 =	sadd.s32 s1, s30  }
0xbb: {  	s0 =	sor.u32 s3, s0;
	s1 =	sshll.u32 s1, $0x11  }
0xbc: {  	s0 =	sor.u32 s1, s0  }
0xbd: {  	s0 =	sadd.s32 $0x8F2B, s0  }
0xbe: {  	[sflag:s0] =	ssyncadd.remote.s32 $0x1  }
0xbf: {  	_ =	sfence.sel $0xFFFF  }
0xc0: {  	[dreg:$0x0] =	wrdreg $0xFFFFFFFF;
	(pc) =	sbr.abs _section_cstart, $3  }
0xc1: {  	[dreg:$0x1] =	wrdreg $0xFFFFFFFF  }
0xc2: {  	_ =	task.clear_ibuf [dreg:s7], $0x2FFFF;
	_ =	strace $0x9FFFFFFF  }
0xc3: {  	(tm) =	ssettm $0x7FFFFFFF  }
tec
execute0_lowered:
.L_overlay_start_1:
0x0: {  	(tag) =	ssettag $0x1  }
0x1: {  	s6 =	rddreg [dreg:$0x0]  }
0x2: {  	s2 =	rddreg [dreg:$0x1]  }
0x3: {  	s3 =	rddreg [dreg:$0x2]  }
0x4: {  	s0 =	rddreg [dreg:$0x3]  }
0x5: {  	s1 =	stileid.u32;
	s5 =	srdreg.scid  }
0x6: {  	s4 =	simm.s32 $0x0;
	s12 =	simm.s32 $0x4000;
	s13 =	simm.s32 $0x50  }
0x7: {  	s14 =	simm.s32 $0x1;
	s15 =	simm.s32 $0x20;
	s16 =	simm.s32 $0x10  }
0x8: {  	s17 =	simm.s32 $0x0;
	s7 =	sand.u32 $0x1, s5;
	s28 =	smul.u32 $0x500, s1  }
0x9: {  	[smem:$0x7FF] =	sst s4;
	s8 =	sshll.u32 s1, $0xB;
	s11 =	smul.u32 $0xA00, s1  }
0xa: {  	s31 =	sshll.u32 s1, $0x6;
	s9 =	sshll.u32 s7, $0x7;
	_ =	strace $0x80000047  }
0xb: {  	s8 =	sadd.s32 s8, s6;
	s10 =	ssub.s32 $0x2, s7;
	s7 =	sshll.u32 s7, $0xF  }
0xc: {  	s5 =	sor.u32 s9, s28;
	s29 =	sshrl.u32 s10, $0x1;
	s30 =	sshrl.u32 s11, $0x2  }
0xd: {  	s7 =	sadd.s32 s7, s8;
	s9 =	sshrl.u32 s5, $0x3;
	s5 =	sadd.s32 $0x13800, s6  }
0xe: {  	s10 =	ssub.s32 s10, s29;
	s11 =	sadd.s32 s30, s3;
	s9 =	sadd.s32 s9, s6  }
0xf: {  	s7 =	sadd.s32 $0x3800, s7;
	s6 =	sor.u32 $0x1C02, s31;
	s8 =	sadd.s32 $0x13A00, s9  }
0x10: {  	s9 =	smax.u32 s10, $0x1;
	s10 =	sshrl.u32 s11, $0x3;
	s11 =	simm.s32 $0x2  }
.LBB2_1:
0x11: {  	[spmem:s10], [sflag:s6] =	dma.local [hbm:s2], $0x50  }
0x12: {  	_ =	swait.ge [sflag:s11], $0x50  }
0x13: {  	[sflag:s11] =	ssyncset.done $0x0  }
0x14: {  	[sflag:s11] =	ssyncadd.s32 $0xFFFFFFB0  }
0x15: {  	[tilespmem:s4], [sflag:$0x2] =	stream.linear.gather [hbm4b:s7+s4], $0x3E80, $0x38;
	[tilespmem:$0x4300] =	vst v63  }
0x16: {  	_ =	swait.ge [sflag:s11], $0x3E80  }
0x17: {  	[sflag:s11] =	ssyncset.done $0x0  }
0x18: {  	[sflag:s11] =	ssyncadd.s32 $0xFFFFC180  }
0x19: {  	[tilespmem:s12], [sflag:$0x2] =	stream.linear.gather [hbm4b:s5+s4], $0x80, $0x38;
	[tilespmem:$0x4300] =	vst v63  }
0x1a: {  	_ =	swait.ge [sflag:s11], $0x80  }
0x1b: {  	[sflag:s11] =	ssyncset.done $0x0  }
0x1c: {  	[sflag:s11] =	ssyncadd.s32 $0xFFFFFF80  }
0x1d: {  	s18 =	simm.s32 $0x0;
	[bflag:$0x0] =	sbarrier.arrive $0xFFFF  }
.LBB2_2:
0x1e: {  	p0 =	sne.s32 s18, $0xF800  }
.Ltmp0:
0x1f: {  	_ = 	snop;
	(pc) =	sbr.rel @p0 .LBB2_2-.Ltmp0, $3  }
0x20: {  	_ =	sdelay $0x1  }
0x21: {  	s19 =	sshra.s32 s18, $0x2;
	s18 =	sadd.s32 $0x200, s18  }
0x22: {  	[spmem:s3] =	stream.indirect.scatter.add.f32 [tilespmem:s12], [sflag:$0x1], $0x1, s19, s13, $0xb8;
	[tilespmem:$0x4300] =	vst v63  }
0x23: {  	_ =	swait.ge [sflag:s14], $0x50  }
0x24: {  	s18 =	simm.s32 $0x7C;
	[sflag:s14] =	ssyncset.done $0x0  }
.LBB2_4:
0x25: {  	p0 =	sne.s32 s18, $0x1;
	s18 =	sadd.s32 $0xFFFFFFFF, s18;
	[sflag:s14] =	ssyncadd.s32 $0xFFFFFFB0  }
.Ltmp1:
0x26: {  	(pc) =	sbr.rel @p0 .LBB2_4-.Ltmp1, $3  }
0x27: {  	_ =	sdelay $0x1  }
0x28: {  	_ =	swait.ge [sflag:s14], $0x50  }
0x29: {  	[sflag:s14] =	ssyncset.done $0x0  }
0x2a: {  	s17 =	sadd.s32 $0x1, s17  }
0x2b: {  	[sflag:s14] =	ssyncadd.s32 $0xFFFFFFB0;
	p0 =	sne.s32 s17, s9  }
.Ltmp2:
0x2c: {  	[bflag:$0x0] =	sbarrier.arrive $0xFFFF;
	(pc) =	sbr.rel @p0 .LBB2_1-.Ltmp2, $4  }
0x2d: {  	[hbm:s8@s15], [sflag:s6] =	dma.strided [spmem:s10@s16], $0x50, s14, $0x10   }
0x2e: {  	_ =	swait.ge [sflag:s11], $0x50  }
0x2f: {  	[sflag:s11] =	ssyncset.done $0x0  }
0x30: {  	[sflag:s11] =	ssyncadd.s32 $0xFFFFFFB0  }
0x31: {  	_ =	sfence.sel $0x180000  }
0x32: {  	[bflag:$0x0] =	sbarrier.arrive $0xFFFF  }
0x33: {  	p0 =	sne.s32 s1, $0x0;
	_ =	strace $0x90000047  }
0x34: {  	s0 =	sadd.s32 @!p0 $0x100000, s0;
	[bflag:$0x2] =	sbarrier.arrive $0xFFFF  }
0x35: {  	[sflag:s0] =	ssyncadd.tile.s32 @!p0 $0x1;
	_ =	shalt  }
.Lfunc_end2:
_tile_overlayer_lowered:
.L_overlay_start_2:
0x36: {  	(tag) =	ssettag $0x2  }
0x37: {  	s0 =	rddreg [dreg:$0x0];
	s2 =	stileid.u32  }
0x38: {  	s1 =	rddreg [dreg:$0x1];
	p0 =	sne.s32 s2, $0x0  }
0x39: {  	s3 =	rddreg [dreg:$0x2];
	[bflag:$0x3] =	sbarrier.arrive $0xFFFF;
	s2 =	simm.s32 @!p0 $0x1C02  }
0x3a: {  	[timem:s3], [sflag:s2] =	dma.local @!p0 [hbm:s0], s1  }
0x3b: {  	s0 =	simm.s32 @!p0 $0x2  }
0x3c: {  	_ =	swait.ge @!p0 [sflag:s0], s1  }
0x3d: {  	s1 =	ssub.s32 @!p0 $0x0, s1;
	[sflag:s0] =	ssyncset.done @!p0 $0x0  }
0x3e: {  	[sflag:s0] =	ssyncadd.s32 @!p0 s1  }
0x3f: {  	[bflag:$0x3] =	sbarrier.arrive $0xFFFF  }
0x40: {  	_ =	shalt  }

</sc_bundles>
